<compile_context>
chip_gen: v7x
topology: tpu7x:2x2x1
jax: 0.10.2.dev20260603
libtpu: 0.0.44.dev20260713+nightly
codegen_flags: <defaults>
</compile_context>

<pallas_src>
import jax
import jax.numpy as jnp
from jax import lax
from jax.experimental import pallas as pl
from jax.experimental.pallas import tpu as pltpu
from jax.experimental.pallas import tpu_sc as plsc

M = 1000000
B = 16384
D = 64
L = 16
NC = 2
NS = 16
MPAD = 1 << 20
RPT = MPAD // NS
JBITS = 14
SPW = B // (NC * NS)
INVALID = 0x7FFFFFFF


def _join_body(idx_hbm, val_hbm, samp_hbm, vp_hbm, mh_hbm,
               idx_v, samp_v, tag_v, t_v, tc_v, mf_v, v_v, tag_hbm):
    cid = lax.axis_index("c")
    sid = lax.axis_index("s")
    lanes = lax.iota(jnp.int32, L)
    shift = jnp.minimum(lanes + 1, L - 1)

    pltpu.sync_copy(idx_hbm, idx_v)
    base_row = sid * RPT

    def scan_body(k, _):
        x = idx_v[pl.ds(k * L, L)]
        jv = k * L + lanes
        local = x - base_row
        valid = (local >= 0) & (local < RPT)
        comp = jnp.where(valid, (local << JBITS) | jv, INVALID)
        comp_s, _unused = plsc.sort_key_val(comp, comp)
        loc_s = lax.shift_right_arithmetic(comp_s, JBITS)
        j_s = comp_s & (B - 1)
        valid_s = comp_s < (1 << (JBITS + 16))
        nxt = comp_s.at[shift].get(mode="promise_in_bounds")
        nxt_loc = lax.shift_right_arithmetic(nxt, JBITS)
        win = valid_s & ((loc_s != nxt_loc) | (lanes == L - 1))
        loc_c = jnp.minimum(loc_s, RPT - 1)
        plsc.store_scatter(tag_v, [loc_c], j_s, mask=win)
        return _

    lax.fori_loop(0, B // L, scan_body, None)

    pltpu.sync_copy(tag_v, tag_hbm.at[pl.ds(cid * MPAD + sid * RPT, RPT)])
    plsc.subcore_barrier()

    base_s = (cid * NS + sid) * SPW
    pltpu.sync_copy(samp_hbm.at[pl.ds(base_s, SPW)], samp_v)
    tag_half = tag_hbm.at[pl.ds(cid * MPAD, MPAD)]
    pltpu.sync_copy(tag_half.at[samp_v], t_v)

    def mask_body(i, _):
        t = t_v[pl.ds(i * L, L)]
        s = samp_v[pl.ds(i * L, L)]
        inb = (t >= 0) & (t < B)
        tc = jnp.where(inb, t, 0)
        back = plsc.load_gather(idx_v, [tc])
        hit = inb & (back == s)
        tc_v[pl.ds(i * L, L)] = tc
        mf_v[pl.ds(i * L, L)] = jnp.where(hit, 1.0, 0.0).astype(jnp.float32)
        return _

    lax.fori_loop(0, SPW // L, mask_body, None)
    pltpu.sync_copy(val_hbm.at[tc_v], v_v)

    def vmask_body(r, _):
        mrow = plsc.load_gather(mf_v, [jnp.full((L,), r, jnp.int32)])
        for cc in range(D // L):
            v_v[r, pl.ds(cc * L, L)] = v_v[r, pl.ds(cc * L, L)] * mrow
        return _

    lax.fori_loop(0, SPW, vmask_body, None)
    pltpu.sync_copy(v_v, vp_hbm.at[pl.ds(base_s, SPW)])
    pltpu.sync_copy(mf_v, mh_hbm.at[pl.ds(base_s, SPW)])


def _mem_body(mem_hbm, samp_hbm, vp_hbm, mh_hbm, out_hbm,
              samp_v, mh_v, vp_v, g_v, gsem):
    cid = lax.axis_index("c")
    sid = lax.axis_index("s")

    base_s = (cid * NS + sid) * SPW
    pltpu.sync_copy(samp_hbm.at[pl.ds(base_s, SPW)], samp_v)
    gd = pltpu.async_copy(mem_hbm.at[samp_v], g_v, gsem)
    pltpu.sync_copy(vp_hbm.at[pl.ds(base_s, SPW)], vp_v)
    pltpu.sync_copy(mh_hbm.at[pl.ds(base_s, SPW)], mh_v)
    gd.wait()

    def row_body(r, _):
        mrow = plsc.load_gather(mh_v, [jnp.full((L,), r, jnp.int32)])
        for cc in range(D // L):
            g = g_v[r, pl.ds(cc * L, L)]
            vp = vp_v[r, pl.ds(cc * L, L)]
            g_v[r, pl.ds(cc * L, L)] = g - mrow * g + vp
        return _

    lax.fori_loop(0, SPW, row_body, None)
    pltpu.sync_copy(g_v, out_hbm.at[pl.ds(base_s, SPW)])


@jax.jit
def kernel(mem, idx, val, sample_idx):
    mesh = plsc.VectorSubcoreMesh(
        core_axis_name="c", subcore_axis_name="s",
        num_cores=NC, num_subcores=NS)
    params = pltpu.CompilerParams(
        needs_layout_passes=False, use_tc_tiling_on_sc=False)
    join_run = pl.kernel(
        _join_body,
        out_type=(jax.ShapeDtypeStruct((B, D), jnp.float32),
                  jax.ShapeDtypeStruct((B,), jnp.float32)),
        mesh=mesh,
        scratch_types=[
            pltpu.VMEM((B,), jnp.int32),
            pltpu.VMEM((SPW,), jnp.int32),
            pltpu.VMEM((RPT,), jnp.int32),
            pltpu.VMEM((SPW,), jnp.int32),
            pltpu.VMEM((SPW,), jnp.int32),
            pltpu.VMEM((SPW,), jnp.float32),
            pltpu.VMEM((SPW, D), jnp.float32),
            pltpu.HBM((NC * MPAD,), jnp.int32),
        ],
        compiler_params=params,
    )
    mem_run = pl.kernel(
        _mem_body,
        out_type=jax.ShapeDtypeStruct((B, D), jnp.float32),
        mesh=mesh,
        scratch_types=[
            pltpu.VMEM((SPW,), jnp.int32),
            pltpu.VMEM((SPW,), jnp.float32),
            pltpu.VMEM((SPW, D), jnp.float32),
            pltpu.VMEM((SPW, D), jnp.float32),
            pltpu.SemaphoreType.DMA,
        ],
        compiler_params=params,
    )
    vp, mh = join_run(idx, val, sample_idx)
    return mem_run(mem, sample_idx, vp, mh)

# --- scband reference (transcript-rebuilt; emitter-appended) ---
"""Pipeline reference for scband-tensor-buffer-81338090651825 (READ-ONLY COPY).

The authoritative reference and input builder live on the scoring server;
editing this copy changes nothing except your own understanding.
"""

import jax, jax.numpy as jnp
import numpy as np

M = 1000000
B = 16384
D = 64

def setup_inputs(seed: int = 0) -> dict:
    key = jax.random.key(seed)
    k1, k2, k3, k4 = jax.random.split(key, 4)
    mem = jax.random.normal(k1, (M, D), dtype=jnp.float32)
    idx = jax.random.randint(k2, (B,), 0, M, dtype=jnp.int32)
    val = jax.random.normal(k3, (B, D), dtype=jnp.float32)
    sample_idx = jax.random.randint(k4, (B,), 0, M, dtype=jnp.int32)
    return {"mem": mem, "idx": idx, "val": val, "sample_idx": sample_idx}

def reference(mem, idx, val, sample_idx):
    # Vectorized equivalent of TensorBuffer.put over a batch of B slots:
    # scatter-overwrite each sample row into the named buffer tensor.
    updated = mem.at[idx].set(val)
    # Equivalent of TensorBuffer.sample: gather a random batch of rows
    # (indexes precomputed outside, as np.random.choice in the original).
    batch = jnp.take(updated, sample_idx, axis=0)
    return batch

if __name__ == "__main__":
    import jax
    _d = setup_inputs()
    print(jax.jit(kernel)(*tuple(_d.values())))

</pallas_src>

<mosaic_0001>
#map = affine_map<(d0, d1) -> (0)>
#map1 = affine_map<(d0, d1) -> (0, 0)>
module attributes {stable_mosaic.version = 14 : i64} {
  func.func @_join_body(%arg0: i32, %arg1: i32, %arg2: memref<16384xi32, #tpu.memory_space<hbm>>, %arg3: memref<16384x64xf32, #tpu.memory_space<hbm>>, %arg4: memref<16384xi32, #tpu.memory_space<hbm>>, %arg5: memref<16384x64xf32, #tpu.memory_space<hbm>>, %arg6: memref<16384xf32, #tpu.memory_space<hbm>>, %arg7: memref<16384xi32, #tpu.memory_space<vmem>>, %arg8: memref<512xi32, #tpu.memory_space<vmem>>, %arg9: memref<65536xi32, #tpu.memory_space<vmem>>, %arg10: memref<512xi32, #tpu.memory_space<vmem>>, %arg11: memref<512xi32, #tpu.memory_space<vmem>>, %arg12: memref<512xf32, #tpu.memory_space<vmem>>, %arg13: memref<512x64xf32, #tpu.memory_space<vmem>>, %arg14: memref<2097152xi32, #tpu.memory_space<hbm>>) attributes {dimension_semantics = [#tpu.dimension_semantics<core_parallel>, #tpu.dimension_semantics<subcore_parallel>], iteration_bounds = array<i64: 2, 16>, scalar_prefetch = 0 : i64, scratch_operands = 8 : i64, tpu.core_type = #tpu.core_type<sc_vector_subcore>, window_params = [{transform_indices = #map}, {transform_indices = #map1}, {transform_indices = #map}, {transform_indices = #map1}, {transform_indices = #map}]} {
    %iota3A = tpu.iota {dimensions = array<i32: 0>} : vector<16xi32>
    %add3A = arith.constant 1 : i32
    %add3A_0 = vector.broadcast %add3A : i32 to vector<16xi32>
    %add3A_1 = arith.addi %iota3A, %add3A_0 : vector<16xi32>
    %min3A = arith.constant 15 : i32
    %min3A_2 = vector.broadcast %min3A : i32 to vector<16xi32>
    %min3A_3 = arith.minsi %add3A_1, %min3A_2 : vector<16xi32>
    "tpu.region"() ({
      %run_scoped3A = tpu.sem_alloc : memref<!tpu.dma_semaphore, #tpu.memory_space<semaphore_mem>>
      tpu.enqueue_dma source(%arg2 : memref<16384xi32, #tpu.memory_space<hbm>>) target(%arg7 : memref<16384xi32, #tpu.memory_space<vmem>>) target_semaphore(%run_scoped3A : memref<!tpu.dma_semaphore, #tpu.memory_space<semaphore_mem>>)
      tpu.wait_dma2 semaphore(%run_scoped3A : memref<!tpu.dma_semaphore, #tpu.memory_space<semaphore_mem>>) src(%arg2 : memref<16384xi32, #tpu.memory_space<hbm>>) dst(%arg7 : memref<16384xi32, #tpu.memory_space<vmem>>)
      tpu.yield
    }) : () -> ()
    %mul3A = arith.constant 65536 : i32
    %mul3A_4 = arith.muli %arg1, %mul3A : i32
    %scan3A = arith.constant 0 : i32
    %scan3A_5 = arith.constant 1024 : i32
    %scan3A_6 = arith.addi %scan3A, %scan3A_5 : i32
    %scan3A_7 = arith.constant 1 : i32
    scf.for %scan3A_31 = %scan3A to %scan3A_6 step %scan3A_7  : i32 {
      %mul3A_32 = arith.constant 16 : i32
      %mul3A_33 = arith.muli %scan3A_31, %mul3A_32 : i32
      %get3A = arith.index_cast %mul3A_33 : i32 to index
      %get3A_34 = tpu.vector_load %arg7[%get3A] {strides = array<i32>} : memref<16384xi32, #tpu.memory_space<vmem>>, vector<16xi32>,
      %mul3A_35 = arith.constant 16 : i32
      %mul3A_36 = arith.muli %scan3A_31, %mul3A_35 : i32
      %add3A_37 = vector.broadcast %mul3A_36 : i32 to vector<16xi32>
      %add3A_38 = arith.addi %add3A_37, %iota3A : vector<16xi32>
      %sub3A = vector.broadcast %mul3A_4 : i32 to vector<16xi32>
      %sub3A_39 = arith.subi %get3A_34, %sub3A : vector<16xi32>
      %ge3A = arith.constant 0 : i32
      %ge3A_40 = vector.broadcast %ge3A : i32 to vector<16xi32>
      %ge3A_41 = arith.cmpi sge, %sub3A_39, %ge3A_40 : vector<16xi32>
      %lt3A = arith.constant 65536 : i32
      %lt3A_42 = vector.broadcast %lt3A : i32 to vector<16xi32>
      %lt3A_43 = arith.cmpi slt, %sub3A_39, %lt3A_42 : vector<16xi32>
      %and3A = arith.andi %ge3A_41, %lt3A_43 : vector<16xi1>
      %shift_left3A = arith.constant 14 : i32
      %shift_left3A_44 = vector.broadcast %shift_left3A : i32 to vector<16xi32>
      %shift_left3A_45 = arith.shli %sub3A_39, %shift_left3A_44 : vector<16xi32>
      %or3A = arith.ori %shift_left3A_45, %add3A_38 : vector<16xi32>
      %jit3A = arith.constant 2147483647 : i32
      %broadcast_in_dim3A = vector.broadcast %jit3A : i32 to vector<16xi32>
      %select_n3A = arith.select %and3A, %or3A, %broadcast_in_dim3A : vector<16xi1>, vector<16xi32>
      %masked_sort3A = arith.constant dense<true> : vector<16xi1>
      %masked_sort3A_46 = arith.constant -2147483648 : i32
      %masked_sort3A_47 = vector.broadcast %masked_sort3A_46 : i32 to vector<16xi32>
      %masked_sort3A_48 = arith.xori %select_n3A, %masked_sort3A_47 : vector<16xi32>
      %masked_sort3A_49, %masked_sort3A_50, %masked_sort3A_51 = tpu.sort %masked_sort3A_48, %select_n3A masked %masked_sort3A : (vector<16xi32>, vector<16xi32>, vector<16xi1>) -> (vector<16xi1>, vector<16xi32>, vector<16xi32>)
      %masked_sort3A_52 = arith.xori %masked_sort3A_50, %masked_sort3A_47 : vector<16xi32>
      %shift_right_arithmetic3A = arith.constant 14 : i32
      %shift_right_arithmetic3A_53 = vector.broadcast %shift_right_arithmetic3A : i32 to vector<16xi32>
      %shift_right_arithmetic3A_54 = arith.shrsi %masked_sort3A_52, %shift_right_arithmetic3A_53 : vector<16xi32>
      %and3A_55 = arith.constant 16383 : i32
      %and3A_56 = vector.broadcast %and3A_55 : i32 to vector<16xi32>
      %and3A_57 = arith.andi %masked_sort3A_52, %and3A_56 : vector<16xi32>
      %lt3A_58 = arith.constant 1073741824 : i32
      %lt3A_59 = vector.broadcast %lt3A_58 : i32 to vector<16xi32>
      %lt3A_60 = arith.cmpi slt, %masked_sort3A_52, %lt3A_59 : vector<16xi32>
      %lt3A_61 = arith.constant 0 : i32
      %lt3A_62 = vector.broadcast %lt3A_61 : i32 to vector<16xi32>
      %lt3A_63 = arith.cmpi slt, %min3A_3, %lt3A_62 : vector<16xi32>
      %add3A_64 = arith.constant 16 : i32
      %add3A_65 = vector.broadcast %add3A_64 : i32 to vector<16xi32>
      %add3A_66 = arith.addi %min3A_3, %add3A_65 : vector<16xi32>
      %select_n3A_67 = arith.select %lt3A_63, %add3A_66, %min3A_3 : vector<16xi1>, vector<16xi32>
      %broadcast_in_dim3A_68 = vector.shape_cast %select_n3A_67 : vector<16xi32> to vector<16x1xi32>
      %gather3A = vector.shape_cast %broadcast_in_dim3A_68 : vector<16x1xi32> to vector<16xi32>
      %gather3A_69 = tpu.dynamic_gather %masked_sort3A_52[%gather3A] in [0] : vector<16xi32>, vector<16xi32> -> vector<16xi32>
      %shift_right_arithmetic3A_70 = arith.constant 14 : i32
      %shift_right_arithmetic3A_71 = vector.broadcast %shift_right_arithmetic3A_70 : i32 to vector<16xi32>
      %shift_right_arithmetic3A_72 = arith.shrsi %gather3A_69, %shift_right_arithmetic3A_71 : vector<16xi32>
      %ne3A = arith.cmpi ne, %shift_right_arithmetic3A_54, %shift_right_arithmetic3A_72 : vector<16xi32>
      %eq3A = arith.constant 15 : i32
      %eq3A_73 = vector.broadcast %eq3A : i32 to vector<16xi32>
      %eq3A_74 = arith.cmpi eq, %iota3A, %eq3A_73 : vector<16xi32>
      %or3A_75 = arith.ori %ne3A, %eq3A_74 : vector<16xi1>
      %and3A_76 = arith.andi %lt3A_60, %or3A_75 : vector<16xi1>
      %min3A_77 = arith.constant 65535 : i32
      %min3A_78 = vector.broadcast %min3A_77 : i32 to vector<16xi32>
      %min3A_79 = arith.minsi %shift_right_arithmetic3A_54, %min3A_78 : vector<16xi32>
      tpu.vector_store_idx %arg9[%min3A_79], %and3A_57 masked %and3A_76 : memref<65536xi32, #tpu.memory_space<vmem>>[vector<16xi32>], vector<16xi32>, vector<16xi1>
    }
    %scan3A_8 = arith.constant 1024 : i32
    %mul3A_9 = arith.constant 1048576 : i32
    %mul3A_10 = arith.muli %arg0, %mul3A_9 : i32
    %mul3A_11 = arith.constant 65536 : i32
    %mul3A_12 = arith.muli %arg1, %mul3A_11 : i32
    %add3A_13 = arith.addi %mul3A_10, %mul3A_12 : i32
    "tpu.region"() ({
      %run_scoped3A = tpu.sem_alloc : memref<!tpu.dma_semaphore, #tpu.memory_space<semaphore_mem>>
      %dma_start3A = tpu.memref_slice %arg14[%add3A_13] : memref<2097152xi32, #tpu.memory_space<hbm>> -> memref<65536xi32, #tpu.memory_space<hbm>>
      %dma_start3A_31 = tpu.memref_slice %arg14[%add3A_13] : memref<2097152xi32, #tpu.memory_space<hbm>> -> memref<65536xi32, #tpu.memory_space<hbm>>
      tpu.enqueue_dma source(%arg9 : memref<65536xi32, #tpu.memory_space<vmem>>) target(%dma_start3A_31 : memref<65536xi32, #tpu.memory_space<hbm>>) target_semaphore(%run_scoped3A : memref<!tpu.dma_semaphore, #tpu.memory_space<semaphore_mem>>)
      %dma_wait3A = tpu.memref_slice %arg14[%add3A_13] : memref<2097152xi32, #tpu.memory_space<hbm>> -> memref<65536xi32, #tpu.memory_space<hbm>>
      %dma_wait3A_32 = tpu.memref_slice %arg14[%add3A_13] : memref<2097152xi32, #tpu.memory_space<hbm>> -> memref<65536xi32, #tpu.memory_space<hbm>>
      tpu.wait_dma2 semaphore(%run_scoped3A : memref<!tpu.dma_semaphore, #tpu.memory_space<semaphore_mem>>) src(%arg9 : memref<65536xi32, #tpu.memory_space<vmem>>) dst(%dma_wait3A_32 : memref<65536xi32, #tpu.memory_space<hbm>>)
      tpu.yield
    }) : () -> ()
    %barrier3A = arith.constant 0 : index
    tpu.barrier barrier_id(%barrier3A)
    %mul3A_14 = arith.constant 16 : i32
    %mul3A_15 = arith.muli %arg0, %mul3A_14 : i32
    %add3A_16 = arith.addi %mul3A_15, %arg1 : i32
    %mul3A_17 = arith.constant 512 : i32
    %mul3A_18 = arith.muli %add3A_16, %mul3A_17 : i32
    "tpu.region"() ({
      %run_scoped3A = tpu.sem_alloc : memref<!tpu.dma_semaphore, #tpu.memory_space<semaphore_mem>>
      %dma_start3A = tpu.memref_slice %arg4[%mul3A_18] : memref<16384xi32, #tpu.memory_space<hbm>> -> memref<512xi32, #tpu.memory_space<hbm>>
      %dma_start3A_31 = tpu.memref_slice %arg4[%mul3A_18] : memref<16384xi32, #tpu.memory_space<hbm>> -> memref<512xi32, #tpu.memory_space<hbm>>
      tpu.enqueue_dma source(%dma_start3A_31 : memref<512xi32, #tpu.memory_space<hbm>>) target(%arg8 : memref<512xi32, #tpu.memory_space<vmem>>) target_semaphore(%run_scoped3A : memref<!tpu.dma_semaphore, #tpu.memory_space<semaphore_mem>>)
      %dma_wait3A = tpu.memref_slice %arg4[%mul3A_18] : memref<16384xi32, #tpu.memory_space<hbm>> -> memref<512xi32, #tpu.memory_space<hbm>>
      %dma_wait3A_32 = tpu.memref_slice %arg4[%mul3A_18] : memref<16384xi32, #tpu.memory_space<hbm>> -> memref<512xi32, #tpu.memory_space<hbm>>
      tpu.wait_dma2 semaphore(%run_scoped3A : memref<!tpu.dma_semaphore, #tpu.memory_space<semaphore_mem>>) src(%dma_wait3A_32 : memref<512xi32, #tpu.memory_space<hbm>>) dst(%arg8 : memref<512xi32, #tpu.memory_space<vmem>>)
      tpu.yield
    }) : () -> ()
    %mul3A_19 = arith.constant 1048576 : i32
    %mul3A_20 = arith.muli %arg0, %mul3A_19 : i32
    "tpu.region"() ({
      %run_scoped3A = tpu.sem_alloc : memref<!tpu.dma_semaphore, #tpu.memory_space<semaphore_mem>>
      %dma_start3A = tpu.memref_slice %arg14[%mul3A_20] : memref<2097152xi32, #tpu.memory_space<hbm>> -> memref<1048576xi32, #tpu.memory_space<hbm>>
      %dma_start3A_31 = arith.constant 0 : i32
      %dma_start3A_32 = tpu.memref_slice %dma_start3A[%dma_start3A_31] : memref<1048576xi32, #tpu.memory_space<hbm>> -> memref<1048576xi32, #tpu.memory_space<hbm>>
      tpu.enqueue_indirect_dma source(%dma_start3A_32 : memref<1048576xi32, #tpu.memory_space<hbm>>) target(%arg10 : memref<512xi32, #tpu.memory_space<vmem>>) offsets(%arg8 : memref<512xi32, #tpu.memory_space<vmem>>) semaphore(%run_scoped3A : memref<!tpu.dma_semaphore, #tpu.memory_space<semaphore_mem>>)
      %dma_wait3A = tpu.memref_slice %arg14[%mul3A_20] : memref<2097152xi32, #tpu.memory_space<hbm>> -> memref<1048576xi32, #tpu.memory_space<hbm>>
      %dma_wait3A_33 = arith.constant 0 : i32
      %dma_wait3A_34 = tpu.memref_slice %dma_wait3A[%dma_wait3A_33] : memref<1048576xi32, #tpu.memory_space<hbm>> -> memref<1048576xi32, #tpu.memory_space<hbm>>
      tpu.wait_indirect_dma semaphore(%run_scoped3A : memref<!tpu.dma_semaphore, #tpu.memory_space<semaphore_mem>>) src(%dma_wait3A_34 : memref<1048576xi32, #tpu.memory_space<hbm>>) dst(%arg10 : memref<512xi32, #tpu.memory_space<vmem>>)
      tpu.yield
    }) : () -> ()
    %scan3A_21 = arith.constant 0 : i32
    %scan3A_22 = arith.constant 32 : i32
    %scan3A_23 = arith.addi %scan3A_21, %scan3A_22 : i32
    %scan3A_24 = arith.constant 1 : i32
    scf.for %scan3A_31 = %scan3A_21 to %scan3A_23 step %scan3A_24  : i32 {
      %mul3A_32 = arith.constant 16 : i32
      %mul3A_33 = arith.muli %scan3A_31, %mul3A_32 : i32
      %get3A = arith.index_cast %mul3A_33 : i32 to index
      %get3A_34 = tpu.vector_load %arg10[%get3A] {strides = array<i32>} : memref<512xi32, #tpu.memory_space<vmem>>, vector<16xi32>,
      %mul3A_35 = arith.constant 16 : i32
      %mul3A_36 = arith.muli %scan3A_31, %mul3A_35 : i32
      %get3A_37 = arith.index_cast %mul3A_36 : i32 to index
      %get3A_38 = tpu.vector_load %arg8[%get3A_37] {strides = array<i32>} : memref<512xi32, #tpu.memory_space<vmem>>, vector<16xi32>,
      %ge3A = arith.constant 0 : i32
      %ge3A_39 = vector.broadcast %ge3A : i32 to vector<16xi32>
      %ge3A_40 = arith.cmpi sge, %get3A_34, %ge3A_39 : vector<16xi32>
      %lt3A = arith.constant 16384 : i32
      %lt3A_41 = vector.broadcast %lt3A : i32 to vector<16xi32>
      %lt3A_42 = arith.cmpi slt, %get3A_34, %lt3A_41 : vector<16xi32>
      %and3A = arith.andi %ge3A_40, %lt3A_42 : vector<16xi1>
      %jit3A = arith.constant 0 : i32
      %broadcast_in_dim3A = vector.broadcast %jit3A : i32 to vector<16xi32>
      %select_n3A = arith.select %and3A, %get3A_34, %broadcast_in_dim3A : vector<16xi1>, vector<16xi32>
      %gather3A = tpu.vector_load_idx %arg7[%select_n3A] : memref<16384xi32, #tpu.memory_space<vmem>>[vector<16xi32>], vector<16xi32>,
      %eq3A = arith.cmpi eq, %gather3A, %get3A_38 : vector<16xi32>
      %and3A_43 = arith.andi %and3A, %eq3A : vector<16xi1>
      %mul3A_44 = arith.constant 16 : i32
      %mul3A_45 = arith.muli %scan3A_31, %mul3A_44 : i32
      %swap3A = arith.index_cast %mul3A_45 : i32 to index
      %swap3A_46 = tpu.vector_load %arg11[%swap3A] {strides = array<i32>} : memref<512xi32, #tpu.memory_space<vmem>>, vector<16xi32>,
      tpu.vector_store %arg11[%swap3A], %select_n3A {strides = array<i32>} : memref<512xi32, #tpu.memory_space<vmem>>, vector<16xi32>,
      %jit3A_47 = arith.constant 1.000000e+00 : f32
      %jit3A_48 = arith.constant 0.000000e+00 : f32
      %broadcast_in_dim3A_49 = vector.broadcast %jit3A_47 : f32 to vector<16xf32>
      %broadcast_in_dim3A_50 = vector.broadcast %jit3A_48 : f32 to vector<16xf32>
      %select_n3A_51 = arith.select %and3A_43, %broadcast_in_dim3A_49, %broadcast_in_dim3A_50 : vector<16xi1>, vector<16xf32>
      %mul3A_52 = arith.constant 16 : i32
      %mul3A_53 = arith.muli %scan3A_31, %mul3A_52 : i32
      %swap3A_54 = arith.index_cast %mul3A_53 : i32 to index
      %swap3A_55 = tpu.vector_load %arg12[%swap3A_54] {strides = array<i32>} : memref<512xf32, #tpu.memory_space<vmem>>, vector<16xf32>,
      tpu.vector_store %arg12[%swap3A_54], %select_n3A_51 {strides = array<i32>} : memref<512xf32, #tpu.memory_space<vmem>>, vector<16xf32>,
    }
    %scan3A_25 = arith.constant 32 : i32
    "tpu.region"() ({
      %run_scoped3A = tpu.sem_alloc : memref<!tpu.dma_semaphore, #tpu.memory_space<semaphore_mem>>
      %dma_start3A = arith.constant 0 : i32
      %dma_start3A_31 = arith.constant 0 : i32
      %dma_start3A_32 = tpu.memref_slice %arg3[%dma_start3A, %dma_start3A_31] : memref<16384x64xf32, #tpu.memory_space<hbm>> -> memref<16384x64xf32, #tpu.memory_space<hbm>>
      tpu.enqueue_indirect_dma source(%dma_start3A_32 : memref<16384x64xf32, #tpu.memory_space<hbm>>) target(%arg13 : memref<512x64xf32, #tpu.memory_space<vmem>>) offsets(%arg11 : memref<512xi32, #tpu.memory_space<vmem>>) semaphore(%run_scoped3A : memref<!tpu.dma_semaphore, #tpu.memory_space<semaphore_mem>>)
      %dma_wait3A = arith.constant 0 : i32
      %dma_wait3A_33 = arith.constant 0 : i32
      %dma_wait3A_34 = tpu.memref_slice %arg3[%dma_wait3A, %dma_wait3A_33] : memref<16384x64xf32, #tpu.memory_space<hbm>> -> memref<16384x64xf32, #tpu.memory_space<hbm>>
      tpu.wait_indirect_dma semaphore(%run_scoped3A : memref<!tpu.dma_semaphore, #tpu.memory_space<semaphore_mem>>) src(%dma_wait3A_34 : memref<16384x64xf32, #tpu.memory_space<hbm>>) dst(%arg13 : memref<512x64xf32, #tpu.memory_space<vmem>>)
      tpu.yield
    }) : () -> ()
    %scan3A_26 = arith.constant 0 : i32
    %scan3A_27 = arith.constant 512 : i32
    %scan3A_28 = arith.addi %scan3A_26, %scan3A_27 : i32
    %scan3A_29 = arith.constant 1 : i32
    scf.for %scan3A_31 = %scan3A_26 to %scan3A_28 step %scan3A_29  : i32 {
      %broadcast_in_dim3A = vector.broadcast %scan3A_31 : i32 to vector<16xi32>
      %gather3A = tpu.vector_load_idx %arg12[%broadcast_in_dim3A] : memref<512xf32, #tpu.memory_space<vmem>>[vector<16xi32>], vector<16xf32>,
      %get3A = arith.index_cast %scan3A_31 : i32 to index
      %get3A_32 = arith.constant 0 : index
      %get3A_33 = tpu.vector_load %arg13[%get3A, %get3A_32] {strides = array<i32>} : memref<512x64xf32, #tpu.memory_space<vmem>>, vector<16xf32>,
      %mul3A_34 = arith.mulf %get3A_33, %gather3A : vector<16xf32>
      %swap3A = arith.index_cast %scan3A_31 : i32 to index
      %swap3A_35 = arith.constant 0 : index
      %swap3A_36 = tpu.vector_load %arg13[%swap3A, %swap3A_35] {strides = array<i32>} : memref<512x64xf32, #tpu.memory_space<vmem>>, vector<16xf32>,
      tpu.vector_store %arg13[%swap3A, %swap3A_35], %mul3A_34 {strides = array<i32>} : memref<512x64xf32, #tpu.memory_space<vmem>>, vector<16xf32>,
      %get3A_37 = arith.index_cast %scan3A_31 : i32 to index
      %get3A_38 = arith.constant 16 : index
      %get3A_39 = tpu.vector_load %arg13[%get3A_37, %get3A_38] {strides = array<i32>} : memref<512x64xf32, #tpu.memory_space<vmem>>, vector<16xf32>,
      %mul3A_40 = arith.mulf %get3A_39, %gather3A : vector<16xf32>
      %swap3A_41 = arith.index_cast %scan3A_31 : i32 to index
      %swap3A_42 = arith.constant 16 : index
      %swap3A_43 = tpu.vector_load %arg13[%swap3A_41, %swap3A_42] {strides = array<i32>} : memref<512x64xf32, #tpu.memory_space<vmem>>, vector<16xf32>,
      tpu.vector_store %arg13[%swap3A_41, %swap3A_42], %mul3A_40 {strides = array<i32>} : memref<512x64xf32, #tpu.memory_space<vmem>>, vector<16xf32>,
      %get3A_44 = arith.index_cast %scan3A_31 : i32 to index
      %get3A_45 = arith.constant 32 : index
      %get3A_46 = tpu.vector_load %arg13[%get3A_44, %get3A_45] {strides = array<i32>} : memref<512x64xf32, #tpu.memory_space<vmem>>, vector<16xf32>,
      %mul3A_47 = arith.mulf %get3A_46, %gather3A : vector<16xf32>
      %swap3A_48 = arith.index_cast %scan3A_31 : i32 to index
      %swap3A_49 = arith.constant 32 : index
      %swap3A_50 = tpu.vector_load %arg13[%swap3A_48, %swap3A_49] {strides = array<i32>} : memref<512x64xf32, #tpu.memory_space<vmem>>, vector<16xf32>,
      tpu.vector_store %arg13[%swap3A_48, %swap3A_49], %mul3A_47 {strides = array<i32>} : memref<512x64xf32, #tpu.memory_space<vmem>>, vector<16xf32>,
      %get3A_51 = arith.index_cast %scan3A_31 : i32 to index
      %get3A_52 = arith.constant 48 : index
      %get3A_53 = tpu.vector_load %arg13[%get3A_51, %get3A_52] {strides = array<i32>} : memref<512x64xf32, #tpu.memory_space<vmem>>, vector<16xf32>,
      %mul3A_54 = arith.mulf %get3A_53, %gather3A : vector<16xf32>
      %swap3A_55 = arith.index_cast %scan3A_31 : i32 to index
      %swap3A_56 = arith.constant 48 : index
      %swap3A_57 = tpu.vector_load %arg13[%swap3A_55, %swap3A_56] {strides = array<i32>} : memref<512x64xf32, #tpu.memory_space<vmem>>, vector<16xf32>,
      tpu.vector_store %arg13[%swap3A_55, %swap3A_56], %mul3A_54 {strides = array<i32>} : memref<512x64xf32, #tpu.memory_space<vmem>>, vector<16xf32>,
    }
    %scan3A_30 = arith.constant 512 : i32
    "tpu.region"() ({
      %run_scoped3A = tpu.sem_alloc : memref<!tpu.dma_semaphore, #tpu.memory_space<semaphore_mem>>
      %dma_start3A = arith.constant 0 : i32
      %dma_start3A_31 = tpu.memref_slice %arg5[%mul3A_18, %dma_start3A] : memref<16384x64xf32, #tpu.memory_space<hbm>> -> memref<512x64xf32, #tpu.memory_space<hbm>>
      %dma_start3A_32 = arith.constant 0 : i32
      %dma_start3A_33 = tpu.memref_slice %arg5[%mul3A_18, %dma_start3A_32] : memref<16384x64xf32, #tpu.memory_space<hbm>> -> memref<512x64xf32, #tpu.memory_space<hbm>>
      tpu.enqueue_dma source(%arg13 : memref<512x64xf32, #tpu.memory_space<vmem>>) target(%dma_start3A_33 : memref<512x64xf32, #tpu.memory_space<hbm>>) target_semaphore(%run_scoped3A : memref<!tpu.dma_semaphore, #tpu.memory_space<semaphore_mem>>)
      %dma_wait3A = arith.constant 0 : i32
      %dma_wait3A_34 = tpu.memref_slice %arg5[%mul3A_18, %dma_wait3A] : memref<16384x64xf32, #tpu.memory_space<hbm>> -> memref<512x64xf32, #tpu.memory_space<hbm>>
      %dma_wait3A_35 = arith.constant 0 : i32
      %dma_wait3A_36 = tpu.memref_slice %arg5[%mul3A_18, %dma_wait3A_35] : memref<16384x64xf32, #tpu.memory_space<hbm>> -> memref<512x64xf32, #tpu.memory_space<hbm>>
      tpu.wait_dma2 semaphore(%run_scoped3A : memref<!tpu.dma_semaphore, #tpu.memory_space<semaphore_mem>>) src(%arg13 : memref<512x64xf32, #tpu.memory_space<vmem>>) dst(%dma_wait3A_36 : memref<512x64xf32, #tpu.memory_space<hbm>>)
      tpu.yield
    }) : () -> ()
    "tpu.region"() ({
      %run_scoped3A = tpu.sem_alloc : memref<!tpu.dma_semaphore, #tpu.memory_space<semaphore_mem>>
      %dma_start3A = tpu.memref_slice %arg6[%mul3A_18] : memref<16384xf32, #tpu.memory_space<hbm>> -> memref<512xf32, #tpu.memory_space<hbm>>
      %dma_start3A_31 = tpu.memref_slice %arg6[%mul3A_18] : memref<16384xf32, #tpu.memory_space<hbm>> -> memref<512xf32, #tpu.memory_space<hbm>>
      tpu.enqueue_dma source(%arg12 : memref<512xf32, #tpu.memory_space<vmem>>) target(%dma_start3A_31 : memref<512xf32, #tpu.memory_space<hbm>>) target_semaphore(%run_scoped3A : memref<!tpu.dma_semaphore, #tpu.memory_space<semaphore_mem>>)
      %dma_wait3A = tpu.memref_slice %arg6[%mul3A_18] : memref<16384xf32, #tpu.memory_space<hbm>> -> memref<512xf32, #tpu.memory_space<hbm>>
      %dma_wait3A_32 = tpu.memref_slice %arg6[%mul3A_18] : memref<16384xf32, #tpu.memory_space<hbm>> -> memref<512xf32, #tpu.memory_space<hbm>>
      tpu.wait_dma2 semaphore(%run_scoped3A : memref<!tpu.dma_semaphore, #tpu.memory_space<semaphore_mem>>) src(%arg12 : memref<512xf32, #tpu.memory_space<vmem>>) dst(%dma_wait3A_32 : memref<512xf32, #tpu.memory_space<hbm>>)
      tpu.yield
    }) : () -> ()
    return
  }
}

#map = affine_map<(d0, d1) -> (0, 0)>
#map1 = affine_map<(d0, d1) -> (0)>
module attributes {stable_mosaic.version = 14 : i64} {
  func.func @_mem_body(%arg0: i32, %arg1: i32, %arg2: memref<1000000x64xf32, #tpu.memory_space<hbm>>, %arg3: memref<16384xi32, #tpu.memory_space<hbm>>, %arg4: memref<16384x64xf32, #tpu.memory_space<hbm>>, %arg5: memref<16384xf32, #tpu.memory_space<hbm>>, %arg6: memref<16384x64xf32, #tpu.memory_space<hbm>>, %arg7: memref<512xi32, #tpu.memory_space<vmem>>, %arg8: memref<512xf32, #tpu.memory_space<vmem>>, %arg9: memref<512x64xf32, #tpu.memory_space<vmem>>, %arg10: memref<512x64xf32, #tpu.memory_space<vmem>>, %arg11: memref<!tpu.dma_semaphore, #tpu.memory_space<semaphore_mem>>) attributes {dimension_semantics = [#tpu.dimension_semantics<core_parallel>, #tpu.dimension_semantics<subcore_parallel>], iteration_bounds = array<i64: 2, 16>, scalar_prefetch = 0 : i64, scratch_operands = 5 : i64, tpu.core_type = #tpu.core_type<sc_vector_subcore>, window_params = [{transform_indices = #map}, {transform_indices = #map1}, {transform_indices = #map}, {transform_indices = #map1}, {transform_indices = #map}]} {
    %mul3A = arith.constant 16 : i32
    %mul3A_0 = arith.muli %arg0, %mul3A : i32
    %add3A = arith.addi %mul3A_0, %arg1 : i32
    %mul3A_1 = arith.constant 512 : i32
    %mul3A_2 = arith.muli %add3A, %mul3A_1 : i32
    "tpu.region"() ({
      %run_scoped3A = tpu.sem_alloc : memref<!tpu.dma_semaphore, #tpu.memory_space<semaphore_mem>>
      %dma_start3A_11 = tpu.memref_slice %arg3[%mul3A_2] : memref<16384xi32, #tpu.memory_space<hbm>> -> memref<512xi32, #tpu.memory_space<hbm>>
      %dma_start3A_12 = tpu.memref_slice %arg3[%mul3A_2] : memref<16384xi32, #tpu.memory_space<hbm>> -> memref<512xi32, #tpu.memory_space<hbm>>
      tpu.enqueue_dma source(%dma_start3A_12 : memref<512xi32, #tpu.memory_space<hbm>>) target(%arg7 : memref<512xi32, #tpu.memory_space<vmem>>) target_semaphore(%run_scoped3A : memref<!tpu.dma_semaphore, #tpu.memory_space<semaphore_mem>>)
      %dma_wait3A_13 = tpu.memref_slice %arg3[%mul3A_2] : memref<16384xi32, #tpu.memory_space<hbm>> -> memref<512xi32, #tpu.memory_space<hbm>>
      %dma_wait3A_14 = tpu.memref_slice %arg3[%mul3A_2] : memref<16384xi32, #tpu.memory_space<hbm>> -> memref<512xi32, #tpu.memory_space<hbm>>
      tpu.wait_dma2 semaphore(%run_scoped3A : memref<!tpu.dma_semaphore, #tpu.memory_space<semaphore_mem>>) src(%dma_wait3A_14 : memref<512xi32, #tpu.memory_space<hbm>>) dst(%arg7 : memref<512xi32, #tpu.memory_space<vmem>>)
      tpu.yield
    }) : () -> ()
    %dma_start3A = arith.constant 0 : i32
    %dma_start3A_3 = arith.constant 0 : i32
    %dma_start3A_4 = tpu.memref_slice %arg2[%dma_start3A, %dma_start3A_3] : memref<1000000x64xf32, #tpu.memory_space<hbm>> -> memref<1000000x64xf32, #tpu.memory_space<hbm>>
    tpu.enqueue_indirect_dma source(%dma_start3A_4 : memref<1000000x64xf32, #tpu.memory_space<hbm>>) target(%arg10 : memref<512x64xf32, #tpu.memory_space<vmem>>) offsets(%arg7 : memref<512xi32, #tpu.memory_space<vmem>>) semaphore(%arg11 : memref<!tpu.dma_semaphore, #tpu.memory_space<semaphore_mem>>)
    "tpu.region"() ({
      %run_scoped3A = tpu.sem_alloc : memref<!tpu.dma_semaphore, #tpu.memory_space<semaphore_mem>>
      %dma_start3A_11 = arith.constant 0 : i32
      %dma_start3A_12 = tpu.memref_slice %arg4[%mul3A_2, %dma_start3A_11] : memref<16384x64xf32, #tpu.memory_space<hbm>> -> memref<512x64xf32, #tpu.memory_space<hbm>>
      %dma_start3A_13 = arith.constant 0 : i32
      %dma_start3A_14 = tpu.memref_slice %arg4[%mul3A_2, %dma_start3A_13] : memref<16384x64xf32, #tpu.memory_space<hbm>> -> memref<512x64xf32, #tpu.memory_space<hbm>>
      tpu.enqueue_dma source(%dma_start3A_14 : memref<512x64xf32, #tpu.memory_space<hbm>>) target(%arg9 : memref<512x64xf32, #tpu.memory_space<vmem>>) target_semaphore(%run_scoped3A : memref<!tpu.dma_semaphore, #tpu.memory_space<semaphore_mem>>)
      %dma_wait3A_15 = arith.constant 0 : i32
      %dma_wait3A_16 = tpu.memref_slice %arg4[%mul3A_2, %dma_wait3A_15] : memref<16384x64xf32, #tpu.memory_space<hbm>> -> memref<512x64xf32, #tpu.memory_space<hbm>>
      %dma_wait3A_17 = arith.constant 0 : i32
      %dma_wait3A_18 = tpu.memref_slice %arg4[%mul3A_2, %dma_wait3A_17] : memref<16384x64xf32, #tpu.memory_space<hbm>> -> memref<512x64xf32, #tpu.memory_space<hbm>>
      tpu.wait_dma2 semaphore(%run_scoped3A : memref<!tpu.dma_semaphore, #tpu.memory_space<semaphore_mem>>) src(%dma_wait3A_18 : memref<512x64xf32, #tpu.memory_space<hbm>>) dst(%arg9 : memref<512x64xf32, #tpu.memory_space<vmem>>)
      tpu.yield
    }) : () -> ()
    "tpu.region"() ({
      %run_scoped3A = tpu.sem_alloc : memref<!tpu.dma_semaphore, #tpu.memory_space<semaphore_mem>>
      %dma_start3A_11 = tpu.memref_slice %arg5[%mul3A_2] : memref<16384xf32, #tpu.memory_space<hbm>> -> memref<512xf32, #tpu.memory_space<hbm>>
      %dma_start3A_12 = tpu.memref_slice %arg5[%mul3A_2] : memref<16384xf32, #tpu.memory_space<hbm>> -> memref<512xf32, #tpu.memory_space<hbm>>
      tpu.enqueue_dma source(%dma_start3A_12 : memref<512xf32, #tpu.memory_space<hbm>>) target(%arg8 : memref<512xf32, #tpu.memory_space<vmem>>) target_semaphore(%run_scoped3A : memref<!tpu.dma_semaphore, #tpu.memory_space<semaphore_mem>>)
      %dma_wait3A_13 = tpu.memref_slice %arg5[%mul3A_2] : memref<16384xf32, #tpu.memory_space<hbm>> -> memref<512xf32, #tpu.memory_space<hbm>>
      %dma_wait3A_14 = tpu.memref_slice %arg5[%mul3A_2] : memref<16384xf32, #tpu.memory_space<hbm>> -> memref<512xf32, #tpu.memory_space<hbm>>
      tpu.wait_dma2 semaphore(%run_scoped3A : memref<!tpu.dma_semaphore, #tpu.memory_space<semaphore_mem>>) src(%dma_wait3A_14 : memref<512xf32, #tpu.memory_space<hbm>>) dst(%arg8 : memref<512xf32, #tpu.memory_space<vmem>>)
      tpu.yield
    }) : () -> ()
    %dma_wait3A = arith.constant 0 : i32
    %dma_wait3A_5 = arith.constant 0 : i32
    %dma_wait3A_6 = tpu.memref_slice %arg2[%dma_wait3A, %dma_wait3A_5] : memref<1000000x64xf32, #tpu.memory_space<hbm>> -> memref<1000000x64xf32, #tpu.memory_space<hbm>>
    tpu.wait_indirect_dma semaphore(%arg11 : memref<!tpu.dma_semaphore, #tpu.memory_space<semaphore_mem>>) src(%dma_wait3A_6 : memref<1000000x64xf32, #tpu.memory_space<hbm>>) dst(%arg10 : memref<512x64xf32, #tpu.memory_space<vmem>>)
    %scan3A = arith.constant 0 : i32
    %scan3A_7 = arith.constant 512 : i32
    %scan3A_8 = arith.addi %scan3A, %scan3A_7 : i32
    %scan3A_9 = arith.constant 1 : i32
    scf.for %scan3A_11 = %scan3A to %scan3A_8 step %scan3A_9  : i32 {
      %broadcast_in_dim3A = vector.broadcast %scan3A_11 : i32 to vector<16xi32>
      %gather3A = tpu.vector_load_idx %arg8[%broadcast_in_dim3A] : memref<512xf32, #tpu.memory_space<vmem>>[vector<16xi32>], vector<16xf32>,
      %get3A = arith.index_cast %scan3A_11 : i32 to index
      %get3A_12 = arith.constant 0 : index
      %get3A_13 = tpu.vector_load %arg10[%get3A, %get3A_12] {strides = array<i32>} : memref<512x64xf32, #tpu.memory_space<vmem>>, vector<16xf32>,
      %get3A_14 = arith.index_cast %scan3A_11 : i32 to index
      %get3A_15 = arith.constant 0 : index
      %get3A_16 = tpu.vector_load %arg9[%get3A_14, %get3A_15] {strides = array<i32>} : memref<512x64xf32, #tpu.memory_space<vmem>>, vector<16xf32>,
      %mul3A_17 = arith.mulf %gather3A, %get3A_13 : vector<16xf32>
      %sub3A = arith.subf %get3A_13, %mul3A_17 : vector<16xf32>
      %add3A_18 = arith.addf %sub3A, %get3A_16 : vector<16xf32>
      %swap3A = arith.index_cast %scan3A_11 : i32 to index
      %swap3A_19 = arith.constant 0 : index
      %swap3A_20 = tpu.vector_load %arg10[%swap3A, %swap3A_19] {strides = array<i32>} : memref<512x64xf32, #tpu.memory_space<vmem>>, vector<16xf32>,
      tpu.vector_store %arg10[%swap3A, %swap3A_19], %add3A_18 {strides = array<i32>} : memref<512x64xf32, #tpu.memory_space<vmem>>, vector<16xf32>,
      %get3A_21 = arith.index_cast %scan3A_11 : i32 to index
      %get3A_22 = arith.constant 16 : index
      %get3A_23 = tpu.vector_load %arg10[%get3A_21, %get3A_22] {strides = array<i32>} : memref<512x64xf32, #tpu.memory_space<vmem>>, vector<16xf32>,
      %get3A_24 = arith.index_cast %scan3A_11 : i32 to index
      %get3A_25 = arith.constant 16 : index
      %get3A_26 = tpu.vector_load %arg9[%get3A_24, %get3A_25] {strides = array<i32>} : memref<512x64xf32, #tpu.memory_space<vmem>>, vector<16xf32>,
      %mul3A_27 = arith.mulf %gather3A, %get3A_23 : vector<16xf32>
      %sub3A_28 = arith.subf %get3A_23, %mul3A_27 : vector<16xf32>
      %add3A_29 = arith.addf %sub3A_28, %get3A_26 : vector<16xf32>
      %swap3A_30 = arith.index_cast %scan3A_11 : i32 to index
      %swap3A_31 = arith.constant 16 : index
      %swap3A_32 = tpu.vector_load %arg10[%swap3A_30, %swap3A_31] {strides = array<i32>} : memref<512x64xf32, #tpu.memory_space<vmem>>, vector<16xf32>,
      tpu.vector_store %arg10[%swap3A_30, %swap3A_31], %add3A_29 {strides = array<i32>} : memref<512x64xf32, #tpu.memory_space<vmem>>, vector<16xf32>,
      %get3A_33 = arith.index_cast %scan3A_11 : i32 to index
      %get3A_34 = arith.constant 32 : index
      %get3A_35 = tpu.vector_load %arg10[%get3A_33, %get3A_34] {strides = array<i32>} : memref<512x64xf32, #tpu.memory_space<vmem>>, vector<16xf32>,
      %get3A_36 = arith.index_cast %scan3A_11 : i32 to index
      %get3A_37 = arith.constant 32 : index
      %get3A_38 = tpu.vector_load %arg9[%get3A_36, %get3A_37] {strides = array<i32>} : memref<512x64xf32, #tpu.memory_space<vmem>>, vector<16xf32>,
      %mul3A_39 = arith.mulf %gather3A, %get3A_35 : vector<16xf32>
      %sub3A_40 = arith.subf %get3A_35, %mul3A_39 : vector<16xf32>
      %add3A_41 = arith.addf %sub3A_40, %get3A_38 : vector<16xf32>
      %swap3A_42 = arith.index_cast %scan3A_11 : i32 to index
      %swap3A_43 = arith.constant 32 : index
      %swap3A_44 = tpu.vector_load %arg10[%swap3A_42, %swap3A_43] {strides = array<i32>} : memref<512x64xf32, #tpu.memory_space<vmem>>, vector<16xf32>,
      tpu.vector_store %arg10[%swap3A_42, %swap3A_43], %add3A_41 {strides = array<i32>} : memref<512x64xf32, #tpu.memory_space<vmem>>, vector<16xf32>,
      %get3A_45 = arith.index_cast %scan3A_11 : i32 to index
      %get3A_46 = arith.constant 48 : index
      %get3A_47 = tpu.vector_load %arg10[%get3A_45, %get3A_46] {strides = array<i32>} : memref<512x64xf32, #tpu.memory_space<vmem>>, vector<16xf32>,
      %get3A_48 = arith.index_cast %scan3A_11 : i32 to index
      %get3A_49 = arith.constant 48 : index
      %get3A_50 = tpu.vector_load %arg9[%get3A_48, %get3A_49] {strides = array<i32>} : memref<512x64xf32, #tpu.memory_space<vmem>>, vector<16xf32>,
      %mul3A_51 = arith.mulf %gather3A, %get3A_47 : vector<16xf32>
      %sub3A_52 = arith.subf %get3A_47, %mul3A_51 : vector<16xf32>
      %add3A_53 = arith.addf %sub3A_52, %get3A_50 : vector<16xf32>
      %swap3A_54 = arith.index_cast %scan3A_11 : i32 to index
      %swap3A_55 = arith.constant 48 : index
      %swap3A_56 = tpu.vector_load %arg10[%swap3A_54, %swap3A_55] {strides = array<i32>} : memref<512x64xf32, #tpu.memory_space<vmem>>, vector<16xf32>,
      tpu.vector_store %arg10[%swap3A_54, %swap3A_55], %add3A_53 {strides = array<i32>} : memref<512x64xf32, #tpu.memory_space<vmem>>, vector<16xf32>,
    }
    %scan3A_10 = arith.constant 512 : i32
    "tpu.region"() ({
      %run_scoped3A = tpu.sem_alloc : memref<!tpu.dma_semaphore, #tpu.memory_space<semaphore_mem>>
      %dma_start3A_11 = arith.constant 0 : i32
      %dma_start3A_12 = tpu.memref_slice %arg6[%mul3A_2, %dma_start3A_11] : memref<16384x64xf32, #tpu.memory_space<hbm>> -> memref<512x64xf32, #tpu.memory_space<hbm>>
      %dma_start3A_13 = arith.constant 0 : i32
      %dma_start3A_14 = tpu.memref_slice %arg6[%mul3A_2, %dma_start3A_13] : memref<16384x64xf32, #tpu.memory_space<hbm>> -> memref<512x64xf32, #tpu.memory_space<hbm>>
      tpu.enqueue_dma source(%arg10 : memref<512x64xf32, #tpu.memory_space<vmem>>) target(%dma_start3A_14 : memref<512x64xf32, #tpu.memory_space<hbm>>) target_semaphore(%run_scoped3A : memref<!tpu.dma_semaphore, #tpu.memory_space<semaphore_mem>>)
      %dma_wait3A_15 = arith.constant 0 : i32
      %dma_wait3A_16 = tpu.memref_slice %arg6[%mul3A_2, %dma_wait3A_15] : memref<16384x64xf32, #tpu.memory_space<hbm>> -> memref<512x64xf32, #tpu.memory_space<hbm>>
      %dma_wait3A_17 = arith.constant 0 : i32
      %dma_wait3A_18 = tpu.memref_slice %arg6[%mul3A_2, %dma_wait3A_17] : memref<16384x64xf32, #tpu.memory_space<hbm>> -> memref<512x64xf32, #tpu.memory_space<hbm>>
      tpu.wait_dma2 semaphore(%run_scoped3A : memref<!tpu.dma_semaphore, #tpu.memory_space<semaphore_mem>>) src(%arg10 : memref<512x64xf32, #tpu.memory_space<vmem>>) dst(%dma_wait3A_18 : memref<512x64xf32, #tpu.memory_space<hbm>>)
      tpu.yield
    }) : () -> ()
    return
  }
}

</mosaic_0001>

<sc_bundles>
// kernel: kernel.4.cloned.1.call-start
scs
__scs_entry_jumppad:
0x0: {  	(pc) =	sbr.rel $0x88, $3  }
0x1: {  	(tag) =	ssettag $0x0;
	lr =	simm.s32 $0x1  }
0x2: {  	[smem:$0x3F9D] =	sst lr;
	_ =	strace $0xD0000000  }
0x3: {  	_ = 	snop  }
0x4: {  	_ = 	snop  }
0x5: {  	_ = 	snop  }
0x6: {  	_ = 	snop  }
0x7: {  	_ = 	snop  }
__scs_overlays_trampoline_lowered:
0x8: {  	[smem:$0x3FAC] =	sst s0  }
0x9: {  	[smem:$0x3FAD] =	sst s1  }
0xa: {  	[smem:$0x3FAE] =	sst s2  }
0xb: {  	[smem:$0x3FAF] =	sst s3  }
0xc: {  	[smem:$0x3FB0] =	sst s4  }
0xd: {  	[smem:$0x3FB1] =	sst s5  }
0xe: {  	[smem:$0x3FB2] =	sst s6  }
0xf: {  	[smem:$0x3FB3] =	sst s7  }
0x10: {  	[smem:$0x3FB4] =	sst s8  }
0x11: {  	[smem:$0x3FB5] =	sst s9;
	s0 =	simm.s32 @!p0 $0x0  }
0x12: {  	s1 =	sld [smem:$0x3F9B];
	s0 =	simm.s32 @p0 $0x1  }
0x13: {  	[smem:$0x3FB6] =	sst s0;
	s0 =	simm.s32 @!p1 $0x0  }
0x14: {  	s2 =	sld [smem:$0x3F9A];
	s0 =	simm.s32 @p1 $0x1  }
0x15: {  	[smem:$0x3FB7] =	sst s0;
	s0 =	simm.s32 @!p2 $0x0  }
0x16: {  	s3 =	sld [smem:$0x3FDB];
	s0 =	simm.s32 @p2 $0x1  }
0x17: {  	s4 =	simm.s32 $0x1BF5;
	[smem:$0x3FB9] =	sst s0  }
0x18: {  	s0 =	sld [smem:$0x3F9C];
	_ =	swait.ge [sflag:s4], $0x0  }
0x19: {  	s7 =	sld [smem:$0x3F9D]  }
0x1a: {  	s8 =	sadd.s32 $0xFFFFE003, lr  }
0x1b: {  	s9 =	sadd.s32 $0xFFFFFEF7, lr;
	s5 =	simm.s32 $0xFFFFFFFF;
	p2 =	slt.u32 s8, $0xFFFFF086  }
0x1c: {  	p1 =	slt.u32 s9, $0xF7A;
	s5 =	simm.s32 @!p2 $0x0  }
0x1d: {  	s5 =	simm.s32 @p1 $0x1;
	p0 =	seq.s32 s7, s2  }
0x1e: {  	s7 =	smul.u32 @!p0 $0xF7A, s2;
	p2 =	seq.s32 @!p0 s5, $0x0  }
0x1f: {  	s9 =	smul.u32 $0xF7A, s1;
	s8 =	simm.s32 @!p0 $0x1BF5;
	p2 =	por !p2, p0  }
0x20: {  	[sflag:s8] =	ssyncset.s32 @!p0 $0xFFFFF086;
	s6 =	sadd.s32 @!p0 s3, s7;
	s7 =	simm.s32 @!p0 $0x108  }
0x21: {  	s3 =	sadd.s32 s3, s9;
	s6 =	sadd.s32 @!p0 $0x88, s6;
	s7 =	simm.s32 @p2 $0x1082  }
0x22: {  	[simem:s7], [sflag:s8] =	dma.local @!p0 [hbm:s6], $0xF7A  }
0x23: {  	s9 =	sor.u32 $0xD0000000, s2;
	s6 =	simm.s32 $0x108;
	_ =	swait.ge @!p0 [sflag:s8], $0x0  }
0x24: {  	s3 =	sadd.s32 $0x88, s3;
	s6 =	simm.s32 @!p1 $0x1082;
	[sflag:s4] =	ssyncset.s32 $0xFFFFF086  }
0x25: {  	[simem:s6], [sflag:s4] =	dma.local [hbm:s3], $0xF7A  }
0x26: {  	[smem:$0x3F9D] =	sst s1;
	(tag) =	ssettag s2;
	_ =	strace s9  }
0x27: {  	s1 =	sld [smem:$0x3FAD]  }
0x28: {  	s2 =	sld [smem:$0x3FAE]  }
0x29: {  	s4 =	sld [smem:$0x3FB0]  }
0x2a: {  	p0 =	seq.s32 s5, $0x0;
	s5 =	sld [smem:$0x3FB1]  }
0x2b: {  	s6 =	sld [smem:$0x3FB2]  }
0x2c: {  	s7 =	sld [smem:$0x3FB3]  }
0x2d: {  	s3 =	simm.s32 $0x108;
	s8 =	sld [smem:$0x3FB4]  }
0x2e: {  	s3 =	simm.s32 @!p0 $0x1082;
	s9 =	sld [smem:$0x3FB5]  }
0x2f: {  	lr =	sadd.s32 s0, s3;
	s0 =	sld [smem:$0x3FAC]  }
0x30: {  	s3 =	sld [smem:$0x3FAF]  }
0x31: {  	[smem:$0x3FB8] =	sst s10  }
0x32: {  	s10 =	sld [smem:$0x3FB6];
	_ =	sdelay $0x3  }
0x33: {  	p0 =	seq.s32 s10, $0x1;
	s10 =	sld [smem:$0x3FB8];
	_ =	sdelay $0x3  }
0x34: {  	[smem:$0x3FB8] =	sst s10  }
0x35: {  	s10 =	sld [smem:$0x3FB7];
	_ =	sdelay $0x3  }
0x36: {  	p1 =	seq.s32 s10, $0x1;
	s10 =	sld [smem:$0x3FB8];
	_ =	sdelay $0x3  }
0x37: {  	[smem:$0x3FB8] =	sst s10  }
0x38: {  	s10 =	sld [smem:$0x3FB9]  }
0x39: {  	_ = 	snop;
	(pc) =	sbr.ind lr, $3  }
0x3a: {  	_ = 	snop  }
0x3b: {  	_ = 	snop  }
0x3c: {  	p2 =	seq.s32 s10, $0x1;
	s10 =	sld [smem:$0x3FB8]  }
0x3d: {  	_ =	shalt  }
0x3e: {  	_ =	shalt  }
0x3f: {  	_ =	shalt  }
0x40: {  	_ =	shalt  }
0x41: {  	_ =	shalt  }
0x42: {  	_ =	shalt  }
0x43: {  	_ =	shalt  }
0x44: {  	_ =	shalt  }
0x45: {  	_ =	shalt  }
0x46: {  	_ =	shalt  }
0x47: {  	_ =	shalt  }
0x48: {  	_ =	shalt  }
0x49: {  	_ =	shalt  }
0x4a: {  	_ =	shalt  }
0x4b: {  	_ =	shalt  }
0x4c: {  	_ =	shalt  }
0x4d: {  	_ =	shalt  }
0x4e: {  	_ =	shalt  }
0x4f: {  	_ =	shalt  }
0x50: {  	_ =	shalt  }
0x51: {  	_ =	shalt  }
0x52: {  	_ =	shalt  }
0x53: {  	_ =	shalt  }
0x54: {  	_ =	shalt  }
0x55: {  	_ =	shalt  }
0x56: {  	_ =	shalt  }
0x57: {  	_ =	shalt  }
0x58: {  	_ =	shalt  }
0x59: {  	_ =	shalt  }
0x5a: {  	_ =	shalt  }
0x5b: {  	_ =	shalt  }
0x5c: {  	_ =	shalt  }
0x5d: {  	_ =	shalt  }
0x5e: {  	_ =	shalt  }
0x5f: {  	_ =	shalt  }
0x60: {  	_ =	shalt  }
0x61: {  	_ =	shalt  }
0x62: {  	_ =	shalt  }
0x63: {  	_ =	shalt  }
0x64: {  	_ =	shalt  }
0x65: {  	_ =	shalt  }
0x66: {  	_ =	shalt  }
0x67: {  	_ =	shalt  }
0x68: {  	_ =	shalt  }
0x69: {  	_ =	shalt  }
0x6a: {  	_ =	shalt  }
0x6b: {  	_ =	shalt  }
0x6c: {  	_ =	shalt  }
0x6d: {  	_ =	shalt  }
0x6e: {  	_ =	shalt  }
0x6f: {  	_ =	shalt  }
0x70: {  	_ =	shalt  }
0x71: {  	_ =	shalt  }
0x72: {  	_ =	shalt  }
0x73: {  	_ =	shalt  }
0x74: {  	_ =	shalt  }
0x75: {  	_ =	shalt  }
0x76: {  	_ =	shalt  }
0x77: {  	_ =	shalt  }
0x78: {  	_ =	shalt  }
0x79: {  	_ =	shalt  }
0x7a: {  	_ =	shalt  }
0x7b: {  	_ =	shalt  }
0x7c: {  	_ =	shalt  }
0x7d: {  	_ =	shalt  }
0x7e: {  	_ =	shalt  }
0x7f: {  	_ =	shalt  }
0x80: {  	_ =	shalt  }
0x81: {  	_ =	shalt  }
0x82: {  	_ =	shalt  }
0x83: {  	_ =	shalt  }
0x84: {  	_ =	shalt  }
0x85: {  	_ =	shalt  }
0x86: {  	_ =	shalt  }
0x87: {  	_ =	shalt  }
.Lfunc_end0:
.L_simem_size_0:
called_computation_lowered:
.L_overlay_start_0:
0x88: {  	s2 =	sld [smem:$0x3FD9]  }
0x89: {  	s3 =	sld [smem:$0x3FFE];
	_ =	sdelay $0x1  }
0x8a: {  	s1 =	srdreg.scid  }
0x8b: {  	s0 =	sand.u32 $0x1, s1  }
0x8c: {  	s18 =	sshll.u32 s0, $0xA;
	s2 =	sadd.s32 s3, s2  }
0x8d: {  	s3 =	sadd.s32 s2, s18  }
0x8e: {  	[smem:$0x3FC4] =	sst s3  }
0x8f: {  	_ = 	snop  }
0x90: {  	s3 =	sld [smem:$0x3FC8]  }
0x91: {  	s4 =	sld [smem:$0x3FC6]  }
0x92: {  	s5 =	sld [smem:$0x3FD0];
	(tm) =	ssettm $0x1  }
0x93: {  	s6 =	sld [smem:$0x3FFB];
	_ =	sdelay $0x3  }
0x94: {  	_ =	strace s6  }
0x95: {  	s6 =	sld [smem:$0x3FFC];
	_ =	sdelay $0x3  }
0x96: {  	_ =	strace s6  }
0x97: {  	s6 =	sld [smem:$0x3FFD];
	_ =	sdelay $0x3  }
0x98: {  	_ =	strace s6  }
0x99: {  	_ =	strace $0x8FFFFFFF  }
0x9a: {  	s19 =	sld [smem:$0x3FDB];
	_ =	sdelay $0x1  }
0x9b: {  	s7 =	simm.s32 $_scs_section_size  }
0x9c: {  	s8 =	simm.s32 $_size__tile_overlayer_lowered;
	s9 =	simm.s32 $_tile_overlayer_lowered  }
0x9d: {  	s22 =	simm.s32 $0x1BFF;
	s21 =	sshll.u32 s9, $0x1;
	s6 =	sadd.s32 s7, s19  }
0x9e: {  	s10 =	simm.s32 $0x0;
	s20 =	sshll.u32 s8, $0x1;
	s8 =	sadd.s32 s21, s6  }
0x9f: {  	[timem:s10], [sflag:s22] =	dma.local [hbm:s8], s20  }
0xa0: {  	_ =	swait.ge [sflag:s22], s20  }
0xa1: {  	s7 =	ssub.s32 $0x0, s20;
	[sflag:s22] =	ssyncset.done $0x0  }
0xa2: {  	[sflag:s22] =	ssyncadd.s32 s7;
	_ =	sdelay $0x1  }
0xa3: {  	s23 =	simm.s32 $0x1B8B  }
0xa4: {  	_ =	swait.ge [sflag:s23], $0x1  }
0xa5: {  	[sflag:s23] =	ssyncset.done $0x0  }
0xa6: {  	s25 =	simm.s32 $0x1B8E;
	s24 =	sld [smem:$0x3FFE];
	[sflag:s23] =	ssyncadd.s32 $0xFFFFFFFF  }
0xa7: {  	s26 =	simm.s32 $execute0_lowered;
	[smem:$0x3FD2] =	sst s25  }
0xa8: {  	s8 =	sshll.u32 s26, $0x1;
	_ =	strace $0x80000046;
	[dreg:$0x1] =	wrdreg $0xFFFFFFFF  }
0xa9: {  	s28 =	simm.s32 $_size_execute0_lowered;
	s6 =	sadd.s32 s6, s8;
	[dreg:$0x0] =	wrdreg $0x0  }
0xaa: {  	s8 =	sshll.u32 s28, $0x1;
	[dreg:$0x2] =	wrdreg s6  }
0xab: {  	[dreg:$0x3] =	wrdreg s8  }
0xac: {  	[dreg:$0x4] =	wrdreg $0xC0  }
0xad: {  	_ =	task [dreg:s10], $0x5FFFF  }
0xae: {  	[dreg:$0x1] =	wrdreg $0xFFFFFFFF  }
0xaf: {  	[dreg:$0x0] =	wrdreg $0x60  }
0xb0: {  	[dreg:$0x2] =	wrdreg s3  }
0xb1: {  	[dreg:$0x3] =	wrdreg s5  }
0xb2: {  	[dreg:$0x4] =	wrdreg s4  }
0xb3: {  	s2 =	sadd.s32 $0x800, s2;
	[dreg:$0x5] =	wrdreg s24  }
0xb4: {  	[dreg:$0x6] =	wrdreg s2  }
0xb5: {  	[dreg:$0x7] =	wrdreg $0x9  }
0xb6: {  	_ =	task.clear_ibuf [dreg:s10], $0x8FFFF;
	_ =	strace $0x90000046  }
0xb7: {  	s29 =	simm.s32 $0x9;
	_ =	strace $0x80000048  }
0xb8: {  	_ =	swait.ge [sflag:s29], $0x1  }
0xb9: {  	[sflag:s29] =	ssyncadd.s32 $0xFFFFFFFF  }
0xba: {  	_ =	strace $0x90000048  }
0xbb: {  	_ =	sfence  }
0xbc: {  	s30 =	sld [smem:$0x0];
	_ =	sdelay $0x2  }
0xbd: {  	s31 =	sshll.u32 s1, $0xD;
	s1 =	sshrl.u32 s1, $0x2  }
0xbe: {  	s3 =	sand.u32 $0x4000, s31;
	s1 =	sadd.s32 s1, s30  }
0xbf: {  	s0 =	sor.u32 s3, s0;
	s1 =	sshll.u32 s1, $0x11  }
0xc0: {  	s0 =	sor.u32 s1, s0  }
0xc1: {  	s0 =	sadd.s32 $0x8F2B, s0  }
0xc2: {  	[sflag:s0] =	ssyncadd.remote.s32 $0x1  }
0xc3: {  	_ =	sfence.sel $0xFFFF  }
0xc4: {  	[dreg:$0x0] =	wrdreg $0xFFFFFFFF;
	(pc) =	sbr.abs _section_cstart, $3  }
0xc5: {  	[dreg:$0x1] =	wrdreg $0xFFFFFFFF  }
0xc6: {  	_ =	task.clear_ibuf [dreg:s10], $0x2FFFF;
	_ =	strace $0x9FFFFFFF  }
0xc7: {  	(tm) =	ssettm $0x7FFFFFFF  }
tec
execute0_lowered:
.L_overlay_start_1:
0x0: {  	(tag) =	ssettag $0x1  }
0x1: {  	s0 =	rddreg [dreg:$0x0]  }
0x2: {  	s2 =	rddreg [dreg:$0x1]  }
0x3: {  	s5 =	rddreg [dreg:$0x2];
	s3 =	srdreg.scid  }
0x4: {  	s6 =	rddreg [dreg:$0x3];
	s1 =	stileid.u32  }
0x5: {  	s13 =	rddreg [dreg:$0x4];
	s4 =	simm.s32 $0x0;
	s16 =	simm.s32 $0x14400  }
0x6: {  	s17 =	simm.s32 $0x14800;
	s18 =	simm.s32 $0x14600;
	s19 =	simm.s32 $0x0  }
0x7: {  	s7 =	sand.u32 $0x1, s3;
	s9 =	sshll.u32 s1, $0x9;
	s3 =	rddreg [dreg:$0x5]  }
0x8: {  	v0 =	vimm.s32 $0xFFEDCBA9;
	[smem:$0x7FF] =	sst s4;
	s14 =	sshll.u32 s1, $0x10;
	s8 =	sshll.u32 s7, $0xD  }
0x9: {  	v0 =	vunpack.c.l.s4.s8 v0;
	_ =	strace $0x80000047;
	s10 =	ssub.s32 $0x2, s7;
	s11 =	sshll.u32 s7, $0x14  }
0xa: {  	s15 =	sshll.u32 s7, $0x11;
	s8 =	sor.u32 s9, s8;
	s31 =	sshrl.u32 s10, $0x1  }
0xb: {  	v1 =	vimm.s32 $0x87654321;
	s11 =	sor.u32 s14, s11;
	v2 =	vunpack.c.0.s8.s32 v0;
	v0 =	vmov s14;
	s14 =	simm.s32 $0x200;
	s9 =	sshll.u32 s8, $0x3  }
0xc: {  	v1 =	vunpack.c.l.s4.s8 v1;
	s8 =	sshrl.u32 s8, $0x3;
	s10 =	ssub.s32 s10, s31;
	s11 =	sshrl.u32 s11, $0x3  }
0xd: {  	s9 =	sadd.s32 s9, s6;
	s12 =	sadd.s32 s8, s6;
	s5 =	sadd.s32 s5, s8  }
0xe: {  	v3 =	vunpack.c.0.s8.s32 v1;
	s8 =	smax.u32 s10, $0x1;
	s10 =	simm.s32 $0x4200;
	s11 =	sadd.s32 s11, s13  }
0xf: {  	vm0 =	vcmask $0x3F3C;
	s13 =	sadd.s32 s15, s13;
	s15 =	simm.s32 $0x14200;
	s6 =	sadd.s32 $0xC00, s9  }
0x10: {  	v1 =	vlaneseq.u32;
	v2 =	vcombine.low v3, v2;
	v3 =	vimm.f32 $0.0e+00;
	s7 =	sadd.s32 $0x20C00, s12;
	s9 =	simm.s32 $0x1;
	s12 =	simm.s32 $0x4000  }
.LBB2_1:
0x11: {  	[tilespmem:s4], [sflag:$0x1] =	stream.linear.gather [hbm4b:s0+s4], $0x4000, $0x38;
	[tilespmem:$0x1C800] =	vst v63  }
0x12: {  	_ =	swait.ge [sflag:s9], $0x4000  }
0x13: {  	[sflag:s9] =	ssyncset.done $0x0  }
0x14: {  	[sflag:s9] =	ssyncadd.s32 $0xFFFFC000  }
0x15: {  	s21 =	simm.s32 $0x10;
	s20 =	simm.s32 $0x0;
	s22 =	simm.s32 $0x0;
	v4 =	vld [tilespmem:s4+$0x0]  }
.LBB2_2:
0x16: {  	p0 =	sne.s32 s21, $0x3FF0;
	_ =	sdelay $0x3  }
0x17: {  	v4 =	vsub.s32 v4, v0  }
0x18: {  	v5 =	vshll.u32 v4, $0xE  }
0x19: {  	v5 =	vadd.s32 s20, v5;
	s20 =	smov.u32 s21  }
0x1a: {  	vm1 =	vlt.u32 v4, $0x10000;
	v4 =	vadd.s32 v1, v5  }
0x1b: {  	v4 =	vnsel vm1, $0x7FFFFFFF, v4  }
0x1c: {  	v5 =	vxor.u32 $0x80000000, v4  }
0x1d: {  	(xrf1) =	vsort.ascd.msk.u32 $0xffff, v5, v4;
	_ =	sdelay $0xd  }
0x1e: {  	v4, _, _ =	vpop (xrf1)  }
0x1f: {  	v5 =	vxor.u32 $0x80000000, v4  }
0x20: {  	v6 =	vperm.xlane v5, v2;
	_ =	sdelay $0x1  }
0x21: {  	v7 =	vshra.s32 v5, $0xE;
	v6 =	vshra.s32 v6, $0xE  }
0x22: {  	vm1 =	vne.s32 v7, v6  }
0x23: {  	vm2 =	vlt.s32 v5, $0x40000000;
	vm1 =	vmor vm1, vm0  }
0x24: {  	vm1 =	vmand vm2, vm1;
	vm2 =	vlt.s32 v7, $0xFFFF  }
0x25: {  	v5 =	vnsel vm2, $0xFFFF, v7;
	_ =	sdelay $0x1  }
.Ltmp0:
0x26: {  	(pc) =	sbr.rel @p0 .LBB2_2-.Ltmp0, $4  }
0x27: {  	_ = 	snop  }
0x28: {  	v4 =	vand.u32 $0x3FFF, v4  }
0x29: {  	s22 =	sadd.s32 $0x10, s22;
	[tilespmem:v5+s10+$0x0] =	vst.idx.msk vm1, v4  }
0x2a: {  	s21 =	sadd.s32 $0x10, s21;
	v4 =	vld [tilespmem:s22+$0x0]  }
0x2b: {  	_ =	sdelay $0x3  }
0x2c: {  	v4 =	vsub.s32 v4, v0  }
0x2d: {  	v5 =	vshll.u32 v4, $0xE  }
0x2e: {  	v5 =	vadd.s32 s20, v5  }
0x2f: {  	vm1 =	vlt.u32 v4, $0x10000;
	v4 =	vadd.s32 v1, v5  }
0x30: {  	v4 =	vnsel vm1, $0x7FFFFFFF, v4  }
0x31: {  	v5 =	vxor.u32 $0x80000000, v4  }
0x32: {  	(xrf1) =	vsort.ascd.msk.u32 $0xffff, v5, v4;
	_ =	sdelay $0xd  }
0x33: {  	v4, _, _ =	vpop (xrf1)  }
0x34: {  	v5 =	vxor.u32 $0x80000000, v4  }
0x35: {  	v6 =	vperm.xlane v5, v2;
	_ =	sdelay $0x1  }
0x36: {  	v7 =	vshra.s32 v5, $0xE;
	v6 =	vshra.s32 v6, $0xE  }
0x37: {  	vm1 =	vne.s32 v7, v6  }
0x38: {  	vm2 =	vlt.s32 v5, $0x40000000;
	vm1 =	vmor vm1, vm0  }
0x39: {  	vm1 =	vmand vm2, vm1;
	vm2 =	vlt.s32 v7, $0xFFFF  }
0x3a: {  	v5 =	vnsel vm2, $0xFFFF, v7;
	_ =	sdelay $0x3  }
0x3b: {  	v4 =	vand.u32 $0x3FFF, v4  }
0x3c: {  	s31 =	simm.s32 $0x0;
	[tilespmem:v5+s10+$0x0] =	vst.idx.msk vm1, v4  }
0x3d: {  	[hbm4b:s11+s31] =	stream.linear.scatter [tilespmem:s10], [sflag:$0x1], $0x10000, $0x38;
	[tilespmem:$0x1C800] =	vst v63  }
0x3e: {  	_ =	swait.ge [sflag:s9], $0x10000  }
0x3f: {  	[sflag:s9] =	ssyncset.done $0x0  }
0x40: {  	[sflag:s9] =	ssyncadd.s32 $0xFFFF0000  }
0x41: {  	[bflag:$0x0] =	sbarrier.arrive $0xFFFF  }
0x42: {  	[tilespmem:s12], [sflag:$0x1] =	stream.linear.gather [hbm4b:s5+s31], $0x200, $0x38;
	[tilespmem:$0x1C800] =	vst v63  }
0x43: {  	_ =	swait.ge [sflag:s9], $0x200  }
0x44: {  	[sflag:s9] =	ssyncset.done $0x0  }
0x45: {  	[sflag:s9] =	ssyncadd.s32 $0xFFFFFE00  }
0x46: {  	[tilespmem:s15], [sflag:$0x1] =	stream.indirect.gather [hbm4b:s13+s14], $0x1, s12, s14, $0xb8;
	[tilespmem:$0x1C800] =	vst v63  }
0x47: {  	_ =	swait.ge [sflag:s9], $0x200  }
0x48: {  	[sflag:s9] =	ssyncset.done $0x0  }
0x49: {  	s21 =	simm.s32 $0x0;
	[sflag:s9] =	ssyncadd.s32 $0xFFFFFE00  }
0x4a: {  	v4 =	vld [tilespmem:s21+$0x14200];
	_ =	sdelay $0x4  }
0x4b: {  	vm1 =	vlt.u32 v4, $0x4000  }
0x4c: {  	v4 =	vnsel vm1, $0x0, v4;
	_ =	sdelay $0x2  }
0x4d: {  	s20 =	simm.s32 $0x10  }
0x4e: {  	v5 =	vld [tilespmem:s20+$0x14200]  }
0x4f: {  	v6 =	vld.idx.msk [tilespmem:v4+s4+$0x0], $0xffff  }
0x50: {  	[tilespmem:s21+$0x14400] =	vst v4;
	v4 =	vld [tilespmem:s21+$0x4000];
	_ =	sdelay $0x3  }
0x51: {  	vm3 =	vlt.u32 v5, $0x4000  }
0x52: {  	vm2 =	veq.s32 v6, v4;
	v4 =	vnsel vm3, $0x0, v5  }
0x53: {  	vm1 =	vmmov vm1  }
0x54: {  	vm2 =	vmand vm1, vm2  }
0x55: {  	s22 =	simm.s32 $0x20;
	s23 =	simm.s32 $0xC0;
	vm1 =	vmmov vm3;
	v5 =	vsel vm2, $0x3F800000, v3  }
.LBB2_4:
0x56: {  	p0 =	sne.s32 s23, $0x7C0;
	v6 =	vld [tilespmem:s22+$0x14200];
	[tilespmem:s21+$0x14600] =	vst v5;
	s21 =	smov.u32 s20;
	s20 =	smov.u32 s22  }
0x57: {  	v5 =	vld.idx.msk [tilespmem:v4+s4+$0x0], $0xffff;
	[tilespmem:s21+$0x14400] =	vst v4  }
0x58: {  	v7 =	vld [tilespmem:s21+$0x4000];
	_ =	sdelay $0x2  }
.Ltmp1:
0x59: {  	vm2 =	vlt.u32 v6, $0x4000;
	(pc) =	sbr.rel @p0 .LBB2_4-.Ltmp1, $4  }
0x5a: {  	v4 =	vnsel vm2, $0x0, v6  }
0x5b: {  	vm3 =	veq.s32 v5, v7  }
0x5c: {  	vm3 =	vmand vm1, vm3;
	vm1 =	vmmov vm2  }
0x5d: {  	s22 =	sshra.s32 s23, $0x2;
	s23 =	sadd.s32 $0x40, s23;
	v5 =	vsel vm3, $0x3F800000, v3  }
0x5e: {  	_ =	sdelay $0x2  }
0x5f: {  	v6 =	vld [tilespmem:s22+$0x14200];
	[tilespmem:s21+$0x14600] =	vst v5  }
0x60: {  	v5 =	vld.idx.msk [tilespmem:v4+s4+$0x0], $0xffff  }
0x61: {  	[tilespmem:s20+$0x14400] =	vst v4;
	v4 =	vld [tilespmem:s20+$0x4000];
	_ =	sdelay $0x3  }
0x62: {  	vm2 =	vlt.u32 v6, $0x4000  }
0x63: {  	v6 =	vnsel vm2, $0x0, v6;
	vm3 =	veq.s32 v5, v4  }
0x64: {  	vm1 =	vmand vm1, vm3  }
0x65: {  	v4 =	vsel vm1, $0x3F800000, v3  }
0x66: {  	[tilespmem:s20+$0x14600] =	vst v4  }
0x67: {  	v5 =	vld [tilespmem:s22+$0x4000]  }
0x68: {  	v4 =	vld.idx.msk [tilespmem:v6+s4+$0x0], $0xffff;
	_ =	sdelay $0x4  }
0x69: {  	vm1 =	vmmov vm2;
	vm2 =	veq.s32 v4, v5  }
0x6a: {  	vm1 =	vmand vm1, vm2  }
0x6b: {  	[tilespmem:s22+$0x14400] =	vst v6;
	v4 =	vsel vm1, $0x3F800000, v3  }
0x6c: {  	s30 =	simm.s32 $0x0;
	[tilespmem:s22+$0x14600] =	vst v4  }
0x6d: {  	[tilespmem:s17], [sflag:$0x1] =	stream.indirect.gather [hbm4b:s2+s14], $0x40, s16, s14, $0xb8;
	[tilespmem:$0x1C800] =	vst v63  }
0x6e: {  	v4 =	vmov s30;
	_ =	swait.ge [sflag:s9], $0x8000  }
0x6f: {  	[sflag:s9] =	ssyncset.done $0x0  }
0x70: {  	s20 =	simm.s32 $0x14820;
	[sflag:s9] =	ssyncadd.s32 $0xFFFF8000  }
0x71: {  	v6 =	vld [tilespmem:s20+$0xFFFFFFF0]  }
0x72: {  	v7 =	vld [tilespmem:s20+$0x10]  }
0x73: {  	v9 =	vld.idx.msk [tilespmem:v4+s18+$0x0], $0xffff  }
0x74: {  	v4 =	vld [tilespmem:s20+$0xFFFFFFE0]  }
0x75: {  	v10 =	vld [tilespmem:s20+$0x0];
	_ =	sdelay $0x3  }
0x76: {  	s31 =	simm.s32 $0x1;
	v5 =	vmul.f32 v4, v9;
	v8 =	vmul.f32 v7, v9  }
0x77: {  	s21 =	simm.s32 $0x2;
	s22 =	simm.s32 $0x14820;
	v4 =	vmov s31;
	v7 =	vmul.f32 v6, v9;
	v6 =	vmul.f32 v10, v9  }
.LBB2_6:
0x78: {  	p0 =	sne.s32 s21, $0x1FF  }
0x79: {  	[tilespmem:s20+$0x10] =	vst v8;
	s22 =	sadd.s32 $0x40, s22;
	s23 =	smov.u32 s21;
	s21 =	sadd.s32 $0x1, s21  }
0x7a: {  	[tilespmem:s20+$0xFFFFFFE0] =	vst v5  }
0x7b: {  	v9 =	vld [tilespmem:s22+$0xFFFFFFF0];
	[tilespmem:s20+$0xFFFFFFF0] =	vst v7  }
0x7c: {  	v7 =	vld [tilespmem:s22+$0x10];
	[tilespmem:s20+$0x0] =	vst v6;
	s20 =	smov.u32 s22  }
0x7d: {  	v6 =	vld.idx.msk [tilespmem:v4+s18+$0x0], $0xffff  }
0x7e: {  	v4 =	vld [tilespmem:s22+$0xFFFFFFE0]  }
0x7f: {  	v10 =	vld [tilespmem:s22+$0x0]  }
.Ltmp2:
0x80: {  	(pc) =	sbr.rel @p0 .LBB2_6-.Ltmp2, $3  }
0x81: {  	_ =	sdelay $0x1  }
0x82: {  	v8 =	vmul.f32 v7, v6;
	v5 =	vmul.f32 v4, v6  }
0x83: {  	v7 =	vmul.f32 v9, v6;
	v4 =	vmov s23;
	v6 =	vmul.f32 v10, v6  }
0x84: {  	[tilespmem:s20+$0x10] =	vst v8  }
0x85: {  	s21 =	sadd.s32 $0x40, s22;
	[tilespmem:s20+$0xFFFFFFE0] =	vst v5  }
0x86: {  	v5 =	vld [tilespmem:s21+$0xFFFFFFF0];
	[tilespmem:s20+$0xFFFFFFF0] =	vst v7  }
0x87: {  	v7 =	vld [tilespmem:s21+$0x10];
	[tilespmem:s20+$0x0] =	vst v6  }
0x88: {  	v4 =	vld.idx.msk [tilespmem:v4+s18+$0x0], $0xffff  }
0x89: {  	v6 =	vld [tilespmem:s21+$0xFFFFFFE0];
	_ =	sdelay $0x1  }
0x8a: {  	v8 =	vld [tilespmem:s21+$0x0];
	_ =	sdelay $0x1  }
0x8b: {  	v7 =	vmul.f32 v7, v4  }
0x8c: {  	v6 =	vmul.f32 v6, v4  }
0x8d: {  	v5 =	vmul.f32 v5, v4;
	[tilespmem:s21+$0x10] =	vst v7  }
0x8e: {  	v4 =	vmul.f32 v8, v4;
	[tilespmem:s21+$0xFFFFFFE0] =	vst v6  }
0x8f: {  	[tilespmem:s21+$0xFFFFFFF0] =	vst v5  }
0x90: {  	[tilespmem:s21+$0x0] =	vst v4  }
0x91: {  	[hbm4b:s6+s4] =	stream.linear.scatter [tilespmem:s17], [sflag:$0x1], $0x8000, $0x38;
	[tilespmem:$0x1C800] =	vst v63  }
0x92: {  	s19 =	sadd.s32 $0x1, s19;
	_ =	swait.ge [sflag:s9], $0x8000  }
0x93: {  	p0 =	sne.s32 s19, s8;
	[sflag:s9] =	ssyncset.done $0x0  }
.Ltmp3:
0x94: {  	[sflag:s9] =	ssyncadd.s32 $0xFFFF8000;
	(pc) =	sbr.rel @p0 .LBB2_1-.Ltmp3, $4  }
0x95: {  	[hbm4b:s7+s4] =	stream.linear.scatter [tilespmem:s18], [sflag:$0x1], $0x200, $0x38;
	[tilespmem:$0x1C800] =	vst v63  }
0x96: {  	_ =	swait.ge [sflag:s9], $0x200  }
0x97: {  	[sflag:s9] =	ssyncset.done $0x0  }
0x98: {  	[sflag:s9] =	ssyncadd.s32 $0xFFFFFE00  }
0x99: {  	_ =	sfence.sel $0x180000  }
0x9a: {  	[bflag:$0x0] =	sbarrier.arrive $0xFFFF  }
0x9b: {  	p0 =	sne.s32 s1, $0x0;
	_ =	strace $0x90000047  }
0x9c: {  	s0 =	sadd.s32 @!p0 $0x100000, s3;
	[bflag:$0x2] =	sbarrier.arrive $0xFFFF  }
0x9d: {  	[sflag:s0] =	ssyncadd.tile.s32 @!p0 $0x1;
	_ =	shalt  }
.Lfunc_end2:
_tile_overlayer_lowered:
.L_overlay_start_2:
0x9e: {  	(tag) =	ssettag $0x2  }
0x9f: {  	s0 =	rddreg [dreg:$0x0];
	s2 =	stileid.u32  }
0xa0: {  	s1 =	rddreg [dreg:$0x1];
	p0 =	sne.s32 s2, $0x0  }
0xa1: {  	s3 =	rddreg [dreg:$0x2];
	[bflag:$0x3] =	sbarrier.arrive $0xFFFF;
	s2 =	simm.s32 @!p0 $0x1C01  }
0xa2: {  	[timem:s3], [sflag:s2] =	dma.local @!p0 [hbm:s0], s1  }
0xa3: {  	s0 =	simm.s32 @!p0 $0x1  }
0xa4: {  	_ =	swait.ge @!p0 [sflag:s0], s1  }
0xa5: {  	s1 =	ssub.s32 @!p0 $0x0, s1;
	[sflag:s0] =	ssyncset.done @!p0 $0x0  }
0xa6: {  	[sflag:s0] =	ssyncadd.s32 @!p0 s1  }
0xa7: {  	[bflag:$0x3] =	sbarrier.arrive $0xFFFF  }
0xa8: {  	_ =	shalt  }

// kernel: kernel.7.cloned.1.call-start
scs
__scs_entry_jumppad:
0x0: {  	(pc) =	sbr.rel $0x88, $3  }
0x1: {  	(tag) =	ssettag $0x0;
	lr =	simm.s32 $0x1  }
0x2: {  	[smem:$0x3F9D] =	sst lr;
	_ =	strace $0xD0000000  }
0x3: {  	_ = 	snop  }
0x4: {  	_ = 	snop  }
0x5: {  	_ = 	snop  }
0x6: {  	_ = 	snop  }
0x7: {  	_ = 	snop  }
__scs_overlays_trampoline_lowered:
0x8: {  	[smem:$0x3FAC] =	sst s0  }
0x9: {  	[smem:$0x3FAD] =	sst s1  }
0xa: {  	[smem:$0x3FAE] =	sst s2  }
0xb: {  	[smem:$0x3FAF] =	sst s3  }
0xc: {  	[smem:$0x3FB0] =	sst s4  }
0xd: {  	[smem:$0x3FB1] =	sst s5  }
0xe: {  	[smem:$0x3FB2] =	sst s6  }
0xf: {  	[smem:$0x3FB3] =	sst s7  }
0x10: {  	[smem:$0x3FB4] =	sst s8  }
0x11: {  	[smem:$0x3FB5] =	sst s9;
	s0 =	simm.s32 @!p0 $0x0  }
0x12: {  	s1 =	sld [smem:$0x3F9B];
	s0 =	simm.s32 @p0 $0x1  }
0x13: {  	[smem:$0x3FB6] =	sst s0;
	s0 =	simm.s32 @!p1 $0x0  }
0x14: {  	s2 =	sld [smem:$0x3F9A];
	s0 =	simm.s32 @p1 $0x1  }
0x15: {  	[smem:$0x3FB7] =	sst s0;
	s0 =	simm.s32 @!p2 $0x0  }
0x16: {  	s3 =	sld [smem:$0x3FDB];
	s0 =	simm.s32 @p2 $0x1  }
0x17: {  	s4 =	simm.s32 $0x1BF5;
	[smem:$0x3FB9] =	sst s0  }
0x18: {  	s0 =	sld [smem:$0x3F9C];
	_ =	swait.ge [sflag:s4], $0x0  }
0x19: {  	s7 =	sld [smem:$0x3F9D]  }
0x1a: {  	s8 =	sadd.s32 $0xFFFFE003, lr  }
0x1b: {  	s9 =	sadd.s32 $0xFFFFFEF7, lr;
	s5 =	simm.s32 $0xFFFFFFFF;
	p2 =	slt.u32 s8, $0xFFFFF086  }
0x1c: {  	p1 =	slt.u32 s9, $0xF7A;
	s5 =	simm.s32 @!p2 $0x0  }
0x1d: {  	s5 =	simm.s32 @p1 $0x1;
	p0 =	seq.s32 s7, s2  }
0x1e: {  	s7 =	smul.u32 @!p0 $0xF7A, s2;
	p2 =	seq.s32 @!p0 s5, $0x0  }
0x1f: {  	s9 =	smul.u32 $0xF7A, s1;
	s8 =	simm.s32 @!p0 $0x1BF5;
	p2 =	por !p2, p0  }
0x20: {  	[sflag:s8] =	ssyncset.s32 @!p0 $0xFFFFF086;
	s6 =	sadd.s32 @!p0 s3, s7;
	s7 =	simm.s32 @!p0 $0x108  }
0x21: {  	s3 =	sadd.s32 s3, s9;
	s6 =	sadd.s32 @!p0 $0x88, s6;
	s7 =	simm.s32 @p2 $0x1082  }
0x22: {  	[simem:s7], [sflag:s8] =	dma.local @!p0 [hbm:s6], $0xF7A  }
0x23: {  	s9 =	sor.u32 $0xD0000000, s2;
	s6 =	simm.s32 $0x108;
	_ =	swait.ge @!p0 [sflag:s8], $0x0  }
0x24: {  	s3 =	sadd.s32 $0x88, s3;
	s6 =	simm.s32 @!p1 $0x1082;
	[sflag:s4] =	ssyncset.s32 $0xFFFFF086  }
0x25: {  	[simem:s6], [sflag:s4] =	dma.local [hbm:s3], $0xF7A  }
0x26: {  	[smem:$0x3F9D] =	sst s1;
	(tag) =	ssettag s2;
	_ =	strace s9  }
0x27: {  	s1 =	sld [smem:$0x3FAD]  }
0x28: {  	s2 =	sld [smem:$0x3FAE]  }
0x29: {  	s4 =	sld [smem:$0x3FB0]  }
0x2a: {  	p0 =	seq.s32 s5, $0x0;
	s5 =	sld [smem:$0x3FB1]  }
0x2b: {  	s6 =	sld [smem:$0x3FB2]  }
0x2c: {  	s7 =	sld [smem:$0x3FB3]  }
0x2d: {  	s3 =	simm.s32 $0x108;
	s8 =	sld [smem:$0x3FB4]  }
0x2e: {  	s3 =	simm.s32 @!p0 $0x1082;
	s9 =	sld [smem:$0x3FB5]  }
0x2f: {  	lr =	sadd.s32 s0, s3;
	s0 =	sld [smem:$0x3FAC]  }
0x30: {  	s3 =	sld [smem:$0x3FAF]  }
0x31: {  	[smem:$0x3FB8] =	sst s10  }
0x32: {  	s10 =	sld [smem:$0x3FB6];
	_ =	sdelay $0x3  }
0x33: {  	p0 =	seq.s32 s10, $0x1;
	s10 =	sld [smem:$0x3FB8];
	_ =	sdelay $0x3  }
0x34: {  	[smem:$0x3FB8] =	sst s10  }
0x35: {  	s10 =	sld [smem:$0x3FB7];
	_ =	sdelay $0x3  }
0x36: {  	p1 =	seq.s32 s10, $0x1;
	s10 =	sld [smem:$0x3FB8];
	_ =	sdelay $0x3  }
0x37: {  	[smem:$0x3FB8] =	sst s10  }
0x38: {  	s10 =	sld [smem:$0x3FB9]  }
0x39: {  	_ = 	snop;
	(pc) =	sbr.ind lr, $3  }
0x3a: {  	_ = 	snop  }
0x3b: {  	_ = 	snop  }
0x3c: {  	p2 =	seq.s32 s10, $0x1;
	s10 =	sld [smem:$0x3FB8]  }
0x3d: {  	_ =	shalt  }
0x3e: {  	_ =	shalt  }
0x3f: {  	_ =	shalt  }
0x40: {  	_ =	shalt  }
0x41: {  	_ =	shalt  }
0x42: {  	_ =	shalt  }
0x43: {  	_ =	shalt  }
0x44: {  	_ =	shalt  }
0x45: {  	_ =	shalt  }
0x46: {  	_ =	shalt  }
0x47: {  	_ =	shalt  }
0x48: {  	_ =	shalt  }
0x49: {  	_ =	shalt  }
0x4a: {  	_ =	shalt  }
0x4b: {  	_ =	shalt  }
0x4c: {  	_ =	shalt  }
0x4d: {  	_ =	shalt  }
0x4e: {  	_ =	shalt  }
0x4f: {  	_ =	shalt  }
0x50: {  	_ =	shalt  }
0x51: {  	_ =	shalt  }
0x52: {  	_ =	shalt  }
0x53: {  	_ =	shalt  }
0x54: {  	_ =	shalt  }
0x55: {  	_ =	shalt  }
0x56: {  	_ =	shalt  }
0x57: {  	_ =	shalt  }
0x58: {  	_ =	shalt  }
0x59: {  	_ =	shalt  }
0x5a: {  	_ =	shalt  }
0x5b: {  	_ =	shalt  }
0x5c: {  	_ =	shalt  }
0x5d: {  	_ =	shalt  }
0x5e: {  	_ =	shalt  }
0x5f: {  	_ =	shalt  }
0x60: {  	_ =	shalt  }
0x61: {  	_ =	shalt  }
0x62: {  	_ =	shalt  }
0x63: {  	_ =	shalt  }
0x64: {  	_ =	shalt  }
0x65: {  	_ =	shalt  }
0x66: {  	_ =	shalt  }
0x67: {  	_ =	shalt  }
0x68: {  	_ =	shalt  }
0x69: {  	_ =	shalt  }
0x6a: {  	_ =	shalt  }
0x6b: {  	_ =	shalt  }
0x6c: {  	_ =	shalt  }
0x6d: {  	_ =	shalt  }
0x6e: {  	_ =	shalt  }
0x6f: {  	_ =	shalt  }
0x70: {  	_ =	shalt  }
0x71: {  	_ =	shalt  }
0x72: {  	_ =	shalt  }
0x73: {  	_ =	shalt  }
0x74: {  	_ =	shalt  }
0x75: {  	_ =	shalt  }
0x76: {  	_ =	shalt  }
0x77: {  	_ =	shalt  }
0x78: {  	_ =	shalt  }
0x79: {  	_ =	shalt  }
0x7a: {  	_ =	shalt  }
0x7b: {  	_ =	shalt  }
0x7c: {  	_ =	shalt  }
0x7d: {  	_ =	shalt  }
0x7e: {  	_ =	shalt  }
0x7f: {  	_ =	shalt  }
0x80: {  	_ =	shalt  }
0x81: {  	_ =	shalt  }
0x82: {  	_ =	shalt  }
0x83: {  	_ =	shalt  }
0x84: {  	_ =	shalt  }
0x85: {  	_ =	shalt  }
0x86: {  	_ =	shalt  }
0x87: {  	_ =	shalt  }
.Lfunc_end0:
.L_simem_size_0:
called_computation.1_lowered:
.L_overlay_start_0:
0x88: {  	s2 =	sld [smem:$0x3FD9]  }
0x89: {  	s3 =	sld [smem:$0x3FFE];
	_ =	sdelay $0x1  }
0x8a: {  	s1 =	srdreg.scid  }
0x8b: {  	s0 =	sand.u32 $0x1, s1  }
0x8c: {  	s17 =	sshll.u32 s0, $0xA;
	s2 =	sadd.s32 s3, s2  }
0x8d: {  	s2 =	sadd.s32 s2, s17  }
0x8e: {  	[smem:$0x3FC4] =	sst s2  }
0x8f: {  	_ = 	snop  }
0x90: {  	s2 =	sld [smem:$0x3FC6]  }
0x91: {  	s18 =	sld [smem:$0x3FD0];
	(tm) =	ssettm $0x1  }
0x92: {  	s4 =	sld [smem:$0x3FFB];
	_ =	sdelay $0x3  }
0x93: {  	_ =	strace s4  }
0x94: {  	s4 =	sld [smem:$0x3FFC];
	_ =	sdelay $0x3  }
0x95: {  	_ =	strace s4  }
0x96: {  	s4 =	sld [smem:$0x3FFD];
	_ =	sdelay $0x3  }
0x97: {  	_ =	strace s4  }
0x98: {  	_ =	strace $0x8FFFFFFF  }
0x99: {  	s19 =	sld [smem:$0x3FDB];
	_ =	sdelay $0x1  }
0x9a: {  	s5 =	simm.s32 $_scs_section_size  }
0x9b: {  	s6 =	simm.s32 $_size__tile_overlayer_lowered;
	s7 =	simm.s32 $_tile_overlayer_lowered  }
0x9c: {  	s22 =	simm.s32 $0x1BFF;
	s21 =	sshll.u32 s7, $0x1;
	s4 =	sadd.s32 s5, s19  }
0x9d: {  	s8 =	simm.s32 $0x0;
	s20 =	sshll.u32 s6, $0x1;
	s6 =	sadd.s32 s21, s4  }
0x9e: {  	[timem:s8], [sflag:s22] =	dma.local [hbm:s6], s20  }
0x9f: {  	_ =	swait.ge [sflag:s22], s20  }
0xa0: {  	s5 =	ssub.s32 $0x0, s20;
	[sflag:s22] =	ssyncset.done $0x0  }
0xa1: {  	[sflag:s22] =	ssyncadd.s32 s5;
	_ =	sdelay $0x1  }
0xa2: {  	s23 =	simm.s32 $0x1B8B  }
0xa3: {  	_ =	swait.ge [sflag:s23], $0x1  }
0xa4: {  	[sflag:s23] =	ssyncset.done $0x0  }
0xa5: {  	s25 =	simm.s32 $0x1B8E;
	s24 =	sld [smem:$0x3FFE];
	[sflag:s23] =	ssyncadd.s32 $0xFFFFFFFF  }
0xa6: {  	s26 =	simm.s32 $execute0_lowered;
	[smem:$0x3FD2] =	sst s25  }
0xa7: {  	s6 =	sshll.u32 s26, $0x1;
	_ =	strace $0x80000049;
	[dreg:$0x1] =	wrdreg $0xFFFFFFFF  }
0xa8: {  	s28 =	simm.s32 $_size_execute0_lowered;
	s4 =	sadd.s32 s4, s6;
	[dreg:$0x0] =	wrdreg $0x0  }
0xa9: {  	s6 =	sshll.u32 s28, $0x1;
	[dreg:$0x2] =	wrdreg s4  }
0xaa: {  	[dreg:$0x3] =	wrdreg s6  }
0xab: {  	[dreg:$0x4] =	wrdreg $0xC0  }
0xac: {  	_ =	task [dreg:s8], $0x5FFFF  }
0xad: {  	[dreg:$0x1] =	wrdreg $0xFFFFFFFF  }
0xae: {  	[dreg:$0x0] =	wrdreg $0x60  }
0xaf: {  	[dreg:$0x2] =	wrdreg s24  }
0xb0: {  	[dreg:$0x3] =	wrdreg s2  }
0xb1: {  	[dreg:$0x4] =	wrdreg s18  }
0xb2: {  	[dreg:$0x5] =	wrdreg $0x9  }
0xb3: {  	_ =	task.clear_ibuf [dreg:s8], $0x6FFFF;
	_ =	strace $0x90000049  }
0xb4: {  	s29 =	simm.s32 $0x9;
	_ =	strace $0x8000004B  }
0xb5: {  	_ =	swait.ge [sflag:s29], $0x1  }
0xb6: {  	[sflag:s29] =	ssyncadd.s32 $0xFFFFFFFF  }
0xb7: {  	_ =	strace $0x9000004B  }
0xb8: {  	_ =	sfence  }
0xb9: {  	s30 =	sld [smem:$0x0];
	_ =	sdelay $0x2  }
0xba: {  	s31 =	sshll.u32 s1, $0xD;
	s1 =	sshrl.u32 s1, $0x2  }
0xbb: {  	s3 =	sand.u32 $0x4000, s31;
	s1 =	sadd.s32 s1, s30  }
0xbc: {  	s0 =	sor.u32 s3, s0;
	s1 =	sshll.u32 s1, $0x11  }
0xbd: {  	s0 =	sor.u32 s1, s0  }
0xbe: {  	s0 =	sadd.s32 $0x8F2B, s0  }
0xbf: {  	[sflag:s0] =	ssyncadd.remote.s32 $0x1  }
0xc0: {  	_ =	sfence.sel $0xFFFF  }
0xc1: {  	[dreg:$0x0] =	wrdreg $0xFFFFFFFF;
	(pc) =	sbr.abs _section_cstart, $3  }
0xc2: {  	[dreg:$0x1] =	wrdreg $0xFFFFFFFF  }
0xc3: {  	_ =	task.clear_ibuf [dreg:s8], $0x2FFFF;
	_ =	strace $0x9FFFFFFF  }
0xc4: {  	(tm) =	ssettm $0x7FFFFFFF  }
0xc5: {  	_ =	shalt  }
tec
execute0_lowered:
.L_overlay_start_1:
0x0: {  	(tag) =	ssettag $0x1  }
0x1: {  	s4 =	rddreg [dreg:$0x0]  }
0x2: {  	s5 =	rddreg [dreg:$0x1]  }
0x3: {  	s7 =	rddreg [dreg:$0x2]  }
0x4: {  	s0 =	rddreg [dreg:$0x3];
	s3 =	srdreg.scid  }
0x5: {  	s2 =	simm.s32 $0x0;
	s1 =	stileid.u32;
	s13 =	simm.s32 $0x1  }
0x6: {  	s14 =	simm.s32 $0x0;
	s6 =	sand.u32 $0x1, s3;
	[smem:$0x7FF] =	sst s2  }
0x7: {  	s9 =	sshll.u32 s1, $0x9;
	s3 =	sadd.s32 $0xF63800, s4;
	s8 =	sshll.u32 s6, $0xD  }
0x8: {  	_ =	strace $0x8000004A;
	s6 =	ssub.s32 $0x2, s6;
	s8 =	sor.u32 s9, s8  }
0x9: {  	s31 =	sshrl.u32 s6, $0x1;
	s9 =	sshll.u32 s8, $0x3;
	s8 =	sshrl.u32 s8, $0x3  }
0xa: {  	s12 =	ssub.s32 s6, s31;
	s10 =	sadd.s32 s9, s4;
	s11 =	sadd.s32 s8, s4  }
0xb: {  	s4 =	sadd.s32 s5, s8;
	s7 =	sadd.s32 s7, s9;
	s8 =	smax.u32 s12, $0x1  }
0xc: {  	s9 =	simm.s32 $0x2;
	s12 =	simm.s32 $0x400;
	s5 =	sadd.s32 $0xC00, s10  }
0xd: {  	s6 =	sadd.s32 $0x20C00, s11;
	s10 =	simm.s32 $0x200;
	s11 =	simm.s32 $0x8400  }
.LBB2_1:
0xe: {  	[tilespmem:s2], [sflag:$0x2] =	stream.linear.gather [hbm4b:s4+s2], $0x200, $0x38;
	[tilespmem:$0x10400] =	vst v63  }
0xf: {  	_ =	swait.ge [sflag:s9], $0x200  }
0x10: {  	[sflag:s9] =	ssyncset.done $0x0  }
0x11: {  	[sflag:s9] =	ssyncadd.s32 $0xFFFFFE00  }
0x12: {  	[tilespmem:s11], [sflag:$0x1] =	stream.indirect.gather [hbm4b:s3+s10], $0x40, s2, s10, $0xb8;
	[tilespmem:$0x10400] =	vst v63  }
0x13: {  	_ = 	snop  }
0x14: {  	[tilespmem:s12], [sflag:$0x2] =	stream.linear.gather [hbm4b:s5+s2], $0x8000, $0x38;
	[tilespmem:$0x10400] =	vst v63  }
0x15: {  	_ =	swait.ge [sflag:s9], $0x8000  }
0x16: {  	[sflag:s9] =	ssyncset.done $0x0  }
0x17: {  	[sflag:s9] =	ssyncadd.s32 $0xFFFF8000  }
0x18: {  	[tilespmem:s10], [sflag:$0x2] =	stream.linear.gather [hbm4b:s6+s2], $0x200, $0x38;
	[tilespmem:$0x10400] =	vst v63  }
0x19: {  	_ =	swait.ge [sflag:s9], $0x200  }
0x1a: {  	[sflag:s9] =	ssyncset.done $0x0  }
0x1b: {  	v0 =	vmov s2;
	[sflag:s9] =	ssyncadd.s32 $0xFFFFFE00  }
0x1c: {  	_ =	swait.ge [sflag:s13], $0x8000  }
0x1d: {  	[sflag:s13] =	ssyncset.done $0x0  }
0x1e: {  	s17 =	simm.s32 $0x8420;
	[sflag:s13] =	ssyncadd.s32 $0xFFFF8000  }
0x1f: {  	v1 =	vld [tilespmem:s17+$0xFFFFFFE0]  }
0x20: {  	v0 =	vld.idx.msk [tilespmem:v0+s10+$0x0], $0xffff;
	_ =	sdelay $0x2  }
0x21: {  	s15 =	simm.s32 $0x420  }
0x22: {  	v2 =	vld [tilespmem:s15+$0xFFFFFFE0]  }
0x23: {  	v3 =	vmul.f32 v1, v0;
	_ =	sdelay $0x1  }
0x24: {  	v1 =	vsub.f32 v1, v3  }
0x25: {  	v3 =	vld [tilespmem:s17+$0xFFFFFFF0]  }
0x26: {  	v1 =	vadd.f32 v1, v2;
	_ =	sdelay $0x1  }
0x27: {  	[tilespmem:s17+$0xFFFFFFE0] =	vst v1  }
0x28: {  	v1 =	vld [tilespmem:s15+$0xFFFFFFF0]  }
0x29: {  	v5 =	vmul.f32 v3, v0;
	_ =	sdelay $0x1  }
0x2a: {  	v3 =	vsub.f32 v3, v5  }
0x2b: {  	v2 =	vld [tilespmem:s17+$0x0]  }
0x2c: {  	v1 =	vadd.f32 v3, v1;
	_ =	sdelay $0x1  }
0x2d: {  	[tilespmem:s17+$0xFFFFFFF0] =	vst v1  }
0x2e: {  	v1 =	vld [tilespmem:s15+$0x0]  }
0x2f: {  	v3 =	vmul.f32 v2, v0;
	_ =	sdelay $0x1  }
0x30: {  	v2 =	vsub.f32 v2, v3  }
0x31: {  	v4 =	vld [tilespmem:s17+$0x10]  }
0x32: {  	v1 =	vadd.f32 v2, v1;
	_ =	sdelay $0x1  }
0x33: {  	[tilespmem:s17+$0x0] =	vst v1  }
0x34: {  	v2 =	vld [tilespmem:s15+$0x10]  }
0x35: {  	v0 =	vmul.f32 v4, v0  }
0x36: {  	s18 =	simm.s32 $0x1  }
0x37: {  	v0 =	vsub.f32 v4, v0;
	v1 =	vmov s18  }
0x38: {  	s16 =	simm.s32 $0x8460  }
0x39: {  	s18 =	simm.s32 $0x2;
	v2 =	vadd.f32 v0, v2;
	v0 =	vld [tilespmem:s16+$0xFFFFFFF0]  }
.LBB2_2:
0x3a: {  	p0 =	sne.s32 s18, $0x1FF;
	s15 =	sadd.s32 $0x40, s15  }
0x3b: {  	v3 =	vld [tilespmem:s16+$0xFFFFFFE0];
	[tilespmem:s17+$0x10] =	vst v2;
	s19 =	smov.u32 s18;
	s18 =	sadd.s32 $0x1, s18;
	s17 =	smov.u32 s16  }
0x3c: {  	v1 =	vld.idx.msk [tilespmem:v1+s10+$0x0], $0xffff  }
0x3d: {  	v2 =	vld [tilespmem:s16+$0x10]  }
0x3e: {  	v4 =	vld [tilespmem:s16+$0x0];
	_ =	sdelay $0x2  }
0x3f: {  	v5 =	vld [tilespmem:s15+$0xFFFFFFE0]  }
0x40: {  	v6 =	vmul.f32 v3, v1;
	v7 =	vmul.f32 v0, v1  }
0x41: {  	v9 =	vmul.f32 v2, v1;
	v8 =	vmul.f32 v4, v1  }
0x42: {  	v1 =	vsub.f32 v3, v6;
	_ =	sdelay $0x1  }
0x43: {  	v1 =	vadd.f32 v1, v5;
	_ =	sdelay $0x1  }
0x44: {  	[tilespmem:s16+$0xFFFFFFE0] =	vst v1  }
0x45: {  	v1 =	vld [tilespmem:s15+$0xFFFFFFF0];
	_ =	sdelay $0x2  }
0x46: {  	v0 =	vsub.f32 v0, v7;
	_ =	sdelay $0x1  }
0x47: {  	v0 =	vadd.f32 v0, v1;
	_ =	sdelay $0x1  }
0x48: {  	[tilespmem:s16+$0xFFFFFFF0] =	vst v0  }
0x49: {  	v0 =	vld [tilespmem:s15+$0x0];
	_ =	sdelay $0x2  }
0x4a: {  	v1 =	vsub.f32 v4, v8;
	_ =	sdelay $0x1  }
0x4b: {  	v0 =	vadd.f32 v1, v0;
	_ =	sdelay $0x1  }
0x4c: {  	[tilespmem:s16+$0x0] =	vst v0  }
0x4d: {  	v0 =	vld [tilespmem:s15+$0x10];
	_ =	sdelay $0x1  }
.Ltmp0:
0x4e: {  	(pc) =	sbr.rel @p0 .LBB2_2-.Ltmp0, $3  }
0x4f: {  	v2 =	vsub.f32 v2, v9;
	v1 =	vmov s19;
	_ =	sdelay $0x1  }
0x50: {  	s16 =	sadd.s32 $0x40, s16;
	v2 =	vadd.f32 v2, v0  }
0x51: {  	v0 =	vld [tilespmem:s16+$0xFFFFFFF0]  }
0x52: {  	_ =	sdelay $0x2  }
0x53: {  	v3 =	vld [tilespmem:s16+$0xFFFFFFE0];
	[tilespmem:s17+$0x10] =	vst v2  }
0x54: {  	v1 =	vld.idx.msk [tilespmem:v1+s10+$0x0], $0xffff;
	_ =	sdelay $0x2  }
0x55: {  	s15 =	sadd.s32 $0x40, s15  }
0x56: {  	v2 =	vld [tilespmem:s15+$0xFFFFFFE0]  }
0x57: {  	v4 =	vmul.f32 v3, v1;
	_ =	sdelay $0x1  }
0x58: {  	v3 =	vsub.f32 v3, v4;
	_ =	sdelay $0x1  }
0x59: {  	v2 =	vadd.f32 v3, v2;
	_ =	sdelay $0x1  }
0x5a: {  	[tilespmem:s16+$0xFFFFFFE0] =	vst v2  }
0x5b: {  	v2 =	vld [tilespmem:s15+$0xFFFFFFF0]  }
0x5c: {  	v5 =	vmul.f32 v0, v1;
	_ =	sdelay $0x1  }
0x5d: {  	v0 =	vsub.f32 v0, v5  }
0x5e: {  	v62 =	vld [tilespmem:s16+$0x0]  }
0x5f: {  	v0 =	vadd.f32 v0, v2;
	_ =	sdelay $0x1  }
0x60: {  	[tilespmem:s16+$0xFFFFFFF0] =	vst v0  }
0x61: {  	v0 =	vld [tilespmem:s15+$0x0]  }
0x62: {  	v63 =	vmul.f32 v62, v1;
	_ =	sdelay $0x1  }
0x63: {  	v2 =	vsub.f32 v62, v63  }
0x64: {  	v61 =	vld [tilespmem:s16+$0x10]  }
0x65: {  	v0 =	vadd.f32 v2, v0;
	_ =	sdelay $0x1  }
0x66: {  	[tilespmem:s16+$0x0] =	vst v0  }
0x67: {  	v0 =	vld [tilespmem:s15+$0x10]  }
0x68: {  	v1 =	vmul.f32 v61, v1;
	_ =	sdelay $0x1  }
0x69: {  	v1 =	vsub.f32 v61, v1;
	_ =	sdelay $0x1  }
0x6a: {  	s14 =	sadd.s32 $0x1, s14;
	v0 =	vadd.f32 v1, v0  }
0x6b: {  	p0 =	sne.s32 s14, s8  }
.Ltmp1:
0x6c: {  	[tilespmem:s16+$0x10] =	vst v0;
	(pc) =	sbr.rel @p0 .LBB2_1-.Ltmp1, $4  }
0x6d: {  	[hbm4b:s7+s2] =	stream.linear.scatter [tilespmem:s11], [sflag:$0x2], $0x8000, $0x38;
	[tilespmem:$0x10400] =	vst v63  }
0x6e: {  	_ =	swait.ge [sflag:s9], $0x8000  }
0x6f: {  	[sflag:s9] =	ssyncset.done $0x0  }
0x70: {  	[sflag:s9] =	ssyncadd.s32 $0xFFFF8000  }
0x71: {  	_ =	sfence.sel $0x180000  }
0x72: {  	[bflag:$0x0] =	sbarrier.arrive $0xFFFF  }
0x73: {  	p0 =	sne.s32 s1, $0x0;
	_ =	strace $0x9000004A  }
0x74: {  	s0 =	sadd.s32 @!p0 $0x100000, s0;
	[bflag:$0x2] =	sbarrier.arrive $0xFFFF  }
0x75: {  	[sflag:s0] =	ssyncadd.tile.s32 @!p0 $0x1;
	_ =	shalt  }
.Lfunc_end2:
_tile_overlayer_lowered:
.L_overlay_start_2:
0x76: {  	(tag) =	ssettag $0x2  }
0x77: {  	s0 =	rddreg [dreg:$0x0];
	s2 =	stileid.u32  }
0x78: {  	s1 =	rddreg [dreg:$0x1];
	p0 =	sne.s32 s2, $0x0  }
0x79: {  	s3 =	rddreg [dreg:$0x2];
	[bflag:$0x3] =	sbarrier.arrive $0xFFFF;
	s2 =	simm.s32 @!p0 $0x1C02  }
0x7a: {  	[timem:s3], [sflag:s2] =	dma.local @!p0 [hbm:s0], s1  }
0x7b: {  	s0 =	simm.s32 @!p0 $0x2  }
0x7c: {  	_ =	swait.ge @!p0 [sflag:s0], s1  }
0x7d: {  	s1 =	ssub.s32 @!p0 $0x0, s1;
	[sflag:s0] =	ssyncset.done @!p0 $0x0  }
0x7e: {  	[sflag:s0] =	ssyncadd.s32 @!p0 s1  }
0x7f: {  	[bflag:$0x3] =	sbarrier.arrive $0xFFFF  }
0x80: {  	_ =	shalt  }

</sc_bundles>
